<compile_context>
chip_gen: v7x
topology: tpu7x:2x2x1
jax: 0.10.2.dev20260603
libtpu: 0.0.44.dev20260713+nightly
codegen_flags: <defaults>
</compile_context>

<pallas_src>
import functools

import jax
import jax.numpy as jnp
from jax import lax
from jax.experimental import pallas as pl
from jax.experimental.pallas import tpu as pltpu
from jax.experimental.pallas import tpu_sc as plsc

_QT = 256
_NT = 2048
_KPAD = 8


def _score_topk_kernel(topk, hw, qt, x_ref, vals_ref, idx_ref, xn_ref):
    qi = pl.program_id(1)

    @pl.when(qi == 0)
    def _():
        xv = x_ref[0]
        nrm = jnp.sqrt(jnp.sum(xv * xv, axis=0, keepdims=True))
        xn_ref[...] = xv / nrm

    xn = xn_ref[...]
    xq = xn_ref[:, pl.ds(qi * qt, qt)]
    s = lax.dot_general(
        xq, xn, (((0,), (0,)), ((), ())),
        preferred_element_type=jnp.float32,
        precision=lax.Precision.DEFAULT,
    )

    iota = lax.broadcasted_iota(jnp.int32, (qt, hw), 1).astype(jnp.float32)
    neg = jnp.float32(jnp.finfo(jnp.float32).min)
    big = jnp.float32(2.0 ** 30)
    m = jnp.max(s, axis=1)
    for t in range(topk):
        cand = jnp.where(s == m[:, None], iota, big)
        am = jnp.min(cand, axis=1)
        vals_ref[0, t, :] = m
        idx_ref[0, t, :] = am
        if t + 1 < topk:
            s = jnp.where(iota == am[:, None], neg, s)
            m = jnp.max(s, axis=1)
    for t in range(topk, _KPAD):
        vals_ref[0, t, :] = jnp.zeros((qt,), jnp.float32)
        idx_ref[0, t, :] = jnp.zeros((qt,), jnp.float32)


def _score_topk(x2, topk):
    b, c, hw = x2.shape
    qt = _QT
    grid = (b, hw // qt)
    out_shapes = [
        jax.ShapeDtypeStruct((b, _KPAD, hw), jnp.float32),
        jax.ShapeDtypeStruct((b, _KPAD, hw), jnp.float32),
    ]
    return pl.pallas_call(
        functools.partial(_score_topk_kernel, topk, hw, qt),
        grid=grid,
        in_specs=[pl.BlockSpec((1, c, hw), lambda bi, qi: (bi, 0, 0))],
        out_specs=[
            pl.BlockSpec((1, _KPAD, qt), lambda bi, qi: (bi, 0, qi)),
            pl.BlockSpec((1, _KPAD, qt), lambda bi, qi: (bi, 0, qi)),
        ],
        out_shape=out_shapes,
        scratch_shapes=[pltpu.VMEM((c, hw), jnp.float32)],
    )(x2)


def _sc_gather(table, idx2d, nch):
    nrows, c = table.shape
    nw = 32
    nchp = idx2d.shape[0] // nw
    ck = 128
    rpw = nch * ck
    mesh = plsc.VectorSubcoreMesh(core_axis_name="c", subcore_axis_name="s")

    @functools.partial(
        pl.kernel,
        mesh=mesh,
        out_type=jax.ShapeDtypeStruct((nw * rpw, c), jnp.float32),
        scratch_types=[
            pltpu.VMEM((nchp, ck), jnp.int32),
            pltpu.VMEM((ck, c), jnp.float32),
            pltpu.VMEM((ck, c), jnp.float32),
            pltpu.SemaphoreType.DMA,
            pltpu.SemaphoreType.DMA,
        ],
    )
    def k(table_hbm, idx_hbm, out_hbm, idx_v, buf0, buf1, sem0, sem1):
        wid = lax.axis_index("s") * 2 + lax.axis_index("c")
        base = wid * rpw
        pltpu.sync_copy(idx_hbm.at[pl.ds(wid * nchp, nchp)], idx_v)
        bufs = (buf0, buf1)
        sems = (sem0, sem1)
        handles = [None, None]
        handles[0] = pltpu.async_copy(table_hbm.at[idx_v.at[0]], bufs[0], sems[0])
        for j in range(nch):
            if j + 1 < nch:
                handles[(j + 1) % 2] = pltpu.async_copy(
                    table_hbm.at[idx_v.at[j + 1]], bufs[(j + 1) % 2],
                    sems[(j + 1) % 2])
            handles[j % 2].wait()
            pltpu.sync_copy(bufs[j % 2], out_hbm.at[pl.ds(base + j * ck, ck)])

    return k(table, idx2d)


def _combine_kernel(topk, nt, g_ref, v_ref, w_ref, b_ref, o_ref):
    acc = jnp.zeros((w_ref.shape[1], nt), jnp.float32)
    for t in range(topk):
        gs = g_ref[0, t] * v_ref[0, t, :][:, None]
        acc = acc + lax.dot_general(
            w_ref[t], gs, (((1,), (1,)), ((), ())),
            preferred_element_type=jnp.float32,
            precision=lax.Precision.DEFAULT,
        )
    o_ref[0] = jnp.maximum(acc + b_ref[...], 0.0)


def _combine(g4, vals, wkt, b2d):
    b, _, hw, cp = g4.shape
    topk, c, _ = wkt.shape
    nt = _NT
    grid = (b, hw // nt)
    return pl.pallas_call(
        functools.partial(_combine_kernel, topk, nt),
        grid=grid,
        in_specs=[
            pl.BlockSpec((1, topk, nt, cp), lambda bi, ni: (bi, 0, ni, 0)),
            pl.BlockSpec((1, _KPAD, nt), lambda bi, ni: (bi, 0, ni)),
            pl.BlockSpec((topk, c, cp), lambda bi, ni: (0, 0, 0)),
            pl.BlockSpec((c, 1), lambda bi, ni: (0, 0)),
        ],
        out_specs=pl.BlockSpec((1, c, nt), lambda bi, ni: (bi, 0, ni)),
        out_shape=jax.ShapeDtypeStruct((b, c, hw), jnp.float32),
    )(g4, vals, wkt, b2d)


def kernel(x, W, b_conv):
    b, c, h, w = x.shape
    hw = h * w
    topk = W.shape[2]
    cp = 128
    x2 = x.reshape(b, c, hw)
    wkt = jnp.transpose(W[:, :, :, 0, 0], (2, 0, 1))
    wkt = jnp.pad(wkt, ((0, 0), (0, 0), (0, cp - c)))
    b2d = b_conv.reshape(c, 1)
    nw = 32
    nch = (topk * hw) // (nw * 128)
    nchp = (nch + 7) // 8 * 8
    outs = []
    for bi in range(b):
        xb = lax.slice_in_dim(x2, bi, bi + 1, axis=0)
        table = jnp.pad(xb[0].T, ((0, 0), (0, cp - c)))
        vals, idxg = _score_topk(xb, topk)
        idx3 = idxg[:, :topk, :].astype(jnp.int32).reshape(nw, nch, 128)
        idx3 = jnp.pad(idx3, ((0, 0), (0, nchp - nch), (0, 0)))
        g = _sc_gather(table, idx3.reshape(nw * nchp, 128), nch)
        g4 = g.reshape(1, topk, hw, cp)
        outs.append(_combine(g4, vals, wkt, b2d))
    return jnp.concatenate(outs, axis=0).reshape(b, c, h, w)

# --- scband reference (transcript-rebuilt; emitter-appended) ---
"""Pipeline reference for scband-sim-block-88098369176506 (READ-ONLY COPY).

The authoritative reference and input builder live on the scoring server;
editing this copy changes nothing except your own understanding.
"""

import jax, jax.numpy as jnp
import numpy as np

B, C, H, W_DIM, TOPK = 2, 96, 64, 64, 7


def setup_inputs(seed: int = 0) -> dict:
    key = jax.random.key(seed)
    k1, k2, k3 = jax.random.split(key, 3)
    x = jax.random.normal(k1, (B, C, H, W_DIM), dtype=jnp.float32)
    W = jax.random.normal(k2, (C, C, TOPK, 1, 1), dtype=jnp.float32) * 0.05
    b_conv = jax.random.normal(k3, (C,), dtype=jnp.float32) * 0.05
    return {"x": x, "W": W, "b_conv": b_conv}


def reference(x, W, b_conv):
    topk = TOPK
    b, c, h, w = x.shape
    hw = h * w
    # dividing(): cut = 1, so one full similarity pass
    X_ = x.reshape(b, c, hw)
    X = X_ / jnp.sqrt(jnp.sum(X_ ** 2, axis=1, keepdims=True))
    # SS(): score = bmm(X^T, X) -> [b, hw, hw]
    score = jnp.einsum('bcq,bck->bqk', X, X)
    vals, idx = jax.lax.top_k(score, topk)            # [b, hw, topk]
    topks = jnp.transpose(vals, (0, 2, 1))            # [b, topk, hw]
    indices = jnp.transpose(idx, (0, 2, 1))           # [b, topk, hw]
    topks_b = jnp.broadcast_to(topks[:, None], (b, c, topk, hw))
    idx_b = jnp.broadcast_to(indices[:, None], (b, c, topk, hw))
    src = jnp.broadcast_to(X_[:, :, None, :], (b, c, topk, hw))
    high_d = jnp.take_along_axis(src, idx_b, axis=3) * topks_b
    # [b, c, topk, h, w]
    # mix: Conv3d(c, c, (topk,1,1), padding=0) -> depth dim collapses to 1
    Wk = W[:, :, :, 0, 0]                             # [c_out, c_in, topk]
    out = jnp.einsum('bitn,oit->bon', high_d, Wk) + b_conv[None, :, None]
    out = out.reshape(b, c, h, w)                     # squeeze(2)
    return jax.nn.relu(out)

if __name__ == "__main__":
    import jax
    _d = setup_inputs()
    print(jax.jit(kernel)(*tuple(_d.values())))

</pallas_src>

<mosaic_0001>
#map = affine_map<(d0, d1) -> (0, 0)>
module attributes {stable_mosaic.version = 14 : i64} {
  func.func @k(%arg0: i32, %arg1: i32, %arg2: memref<4096x128xf32, #tpu.memory_space<hbm>>, %arg3: memref<256x128xi32, #tpu.memory_space<hbm>>, %arg4: memref<28672x128xf32, #tpu.memory_space<hbm>>, %arg5: memref<8x128xi32, #tpu.memory_space<vmem>>, %arg6: memref<128x128xf32, #tpu.memory_space<vmem>>, %arg7: memref<128x128xf32, #tpu.memory_space<vmem>>, %arg8: memref<!tpu.dma_semaphore, #tpu.memory_space<semaphore_mem>>, %arg9: memref<!tpu.dma_semaphore, #tpu.memory_space<semaphore_mem>>) attributes {dimension_semantics = [#tpu.dimension_semantics<core_parallel>, #tpu.dimension_semantics<subcore_parallel>], iteration_bounds = array<i64: 2, 16>, scalar_prefetch = 0 : i64, scratch_operands = 5 : i64, tpu.core_type = #tpu.core_type<sc_vector_subcore>, window_params = [{transform_indices = #map}, {transform_indices = #map}, {transform_indices = #map}]} {
    %mul3A = arith.constant 2 : i32
    %mul3A_0 = arith.muli %arg1, %mul3A : i32
    %add3A = arith.addi %mul3A_0, %arg0 : i32
    %mul3A_1 = arith.constant 896 : i32
    %mul3A_2 = arith.muli %add3A, %mul3A_1 : i32
    %mul3A_3 = arith.constant 8 : i32
    %mul3A_4 = arith.muli %add3A, %mul3A_3 : i32
    "tpu.region"() ({
      %run_scoped3A = tpu.sem_alloc : memref<!tpu.dma_semaphore, #tpu.memory_space<semaphore_mem>>
      %dma_start3A_115 = arith.constant 0 : i32
      %dma_start3A_116 = tpu.memref_slice %arg3[%mul3A_4, %dma_start3A_115] : memref<256x128xi32, #tpu.memory_space<hbm>> -> memref<8x128xi32, #tpu.memory_space<hbm>>
      %dma_start3A_117 = arith.constant 0 : i32
      %dma_start3A_118 = tpu.memref_slice %arg3[%mul3A_4, %dma_start3A_117] : memref<256x128xi32, #tpu.memory_space<hbm>> -> memref<8x128xi32, #tpu.memory_space<hbm>>
      tpu.enqueue_dma source(%dma_start3A_118 : memref<8x128xi32, #tpu.memory_space<hbm>>) target(%arg5 : memref<8x128xi32, #tpu.memory_space<vmem>>) target_semaphore(%run_scoped3A : memref<!tpu.dma_semaphore, #tpu.memory_space<semaphore_mem>>)
      %dma_wait3A_119 = arith.constant 0 : i32
      %dma_wait3A_120 = tpu.memref_slice %arg3[%mul3A_4, %dma_wait3A_119] : memref<256x128xi32, #tpu.memory_space<hbm>> -> memref<8x128xi32, #tpu.memory_space<hbm>>
      %dma_wait3A_121 = arith.constant 0 : i32
      %dma_wait3A_122 = tpu.memref_slice %arg3[%mul3A_4, %dma_wait3A_121] : memref<256x128xi32, #tpu.memory_space<hbm>> -> memref<8x128xi32, #tpu.memory_space<hbm>>
      tpu.wait_dma2 semaphore(%run_scoped3A : memref<!tpu.dma_semaphore, #tpu.memory_space<semaphore_mem>>) src(%dma_wait3A_122 : memref<8x128xi32, #tpu.memory_space<hbm>>) dst(%arg5 : memref<8x128xi32, #tpu.memory_space<vmem>>)
      tpu.yield
    }) : () -> ()
    %dma_start3A = arith.constant 0 : i32
    %dma_start3A_5 = arith.constant 0 : i32
    %dma_start3A_6 = tpu.memref_slice %arg5[%dma_start3A, %dma_start3A_5] : memref<8x128xi32, #tpu.memory_space<vmem>> -> memref<1x128xi32, #tpu.memory_space<vmem>>
    %dma_start3A_7 = tpu.memref_squeeze %dma_start3A_6 : memref<1x128xi32, #tpu.memory_space<vmem>> -> memref<128xi32, #tpu.memory_space<vmem>>
    %dma_start3A_8 = arith.constant 0 : i32
    %dma_start3A_9 = arith.constant 0 : i32
    %dma_start3A_10 = tpu.memref_slice %arg2[%dma_start3A_8, %dma_start3A_9] : memref<4096x128xf32, #tpu.memory_space<hbm>> -> memref<4096x128xf32, #tpu.memory_space<hbm>>
    tpu.enqueue_indirect_dma source(%dma_start3A_10 : memref<4096x128xf32, #tpu.memory_space<hbm>>) target(%arg6 : memref<128x128xf32, #tpu.memory_space<vmem>>) offsets(%dma_start3A_7 : memref<128xi32, #tpu.memory_space<vmem>>) semaphore(%arg8 : memref<!tpu.dma_semaphore, #tpu.memory_space<semaphore_mem>>)
    %dma_start3A_11 = arith.constant 1 : i32
    %dma_start3A_12 = arith.constant 0 : i32
    %dma_start3A_13 = tpu.memref_slice %arg5[%dma_start3A_11, %dma_start3A_12] : memref<8x128xi32, #tpu.memory_space<vmem>> -> memref<1x128xi32, #tpu.memory_space<vmem>>
    %dma_start3A_14 = tpu.memref_squeeze %dma_start3A_13 : memref<1x128xi32, #tpu.memory_space<vmem>> -> memref<128xi32, #tpu.memory_space<vmem>>
    %dma_start3A_15 = arith.constant 0 : i32
    %dma_start3A_16 = arith.constant 0 : i32
    %dma_start3A_17 = tpu.memref_slice %arg2[%dma_start3A_15, %dma_start3A_16] : memref<4096x128xf32, #tpu.memory_space<hbm>> -> memref<4096x128xf32, #tpu.memory_space<hbm>>
    tpu.enqueue_indirect_dma source(%dma_start3A_17 : memref<4096x128xf32, #tpu.memory_space<hbm>>) target(%arg7 : memref<128x128xf32, #tpu.memory_space<vmem>>) offsets(%dma_start3A_14 : memref<128xi32, #tpu.memory_space<vmem>>) semaphore(%arg9 : memref<!tpu.dma_semaphore, #tpu.memory_space<semaphore_mem>>)
    %dma_wait3A = arith.constant 0 : i32
    %dma_wait3A_18 = arith.constant 0 : i32
    %dma_wait3A_19 = tpu.memref_slice %arg5[%dma_wait3A, %dma_wait3A_18] : memref<8x128xi32, #tpu.memory_space<vmem>> -> memref<1x128xi32, #tpu.memory_space<vmem>>
    %dma_wait3A_20 = tpu.memref_squeeze %dma_wait3A_19 : memref<1x128xi32, #tpu.memory_space<vmem>> -> memref<128xi32, #tpu.memory_space<vmem>>
    %dma_wait3A_21 = arith.constant 0 : i32
    %dma_wait3A_22 = arith.constant 0 : i32
    %dma_wait3A_23 = tpu.memref_slice %arg2[%dma_wait3A_21, %dma_wait3A_22] : memref<4096x128xf32, #tpu.memory_space<hbm>> -> memref<4096x128xf32, #tpu.memory_space<hbm>>
    tpu.wait_indirect_dma semaphore(%arg8 : memref<!tpu.dma_semaphore, #tpu.memory_space<semaphore_mem>>) src(%dma_wait3A_23 : memref<4096x128xf32, #tpu.memory_space<hbm>>) dst(%arg6 : memref<128x128xf32, #tpu.memory_space<vmem>>)
    %add3A_24 = arith.constant 0 : i32
    %add3A_25 = arith.addi %mul3A_2, %add3A_24 : i32
    "tpu.region"() ({
      %run_scoped3A = tpu.sem_alloc : memref<!tpu.dma_semaphore, #tpu.memory_space<semaphore_mem>>
      %dma_start3A_115 = arith.constant 0 : i32
      %dma_start3A_116 = tpu.memref_slice %arg4[%add3A_25, %dma_start3A_115] : memref<28672x128xf32, #tpu.memory_space<hbm>> -> memref<128x128xf32, #tpu.memory_space<hbm>>
      %dma_start3A_117 = arith.constant 0 : i32
      %dma_start3A_118 = tpu.memref_slice %arg4[%add3A_25, %dma_start3A_117] : memref<28672x128xf32, #tpu.memory_space<hbm>> -> memref<128x128xf32, #tpu.memory_space<hbm>>
      tpu.enqueue_dma source(%arg6 : memref<128x128xf32, #tpu.memory_space<vmem>>) target(%dma_start3A_118 : memref<128x128xf32, #tpu.memory_space<hbm>>) target_semaphore(%run_scoped3A : memref<!tpu.dma_semaphore, #tpu.memory_space<semaphore_mem>>)
      %dma_wait3A_119 = arith.constant 0 : i32
      %dma_wait3A_120 = tpu.memref_slice %arg4[%add3A_25, %dma_wait3A_119] : memref<28672x128xf32, #tpu.memory_space<hbm>> -> memref<128x128xf32, #tpu.memory_space<hbm>>
      %dma_wait3A_121 = arith.constant 0 : i32
      %dma_wait3A_122 = tpu.memref_slice %arg4[%add3A_25, %dma_wait3A_121] : memref<28672x128xf32, #tpu.memory_space<hbm>> -> memref<128x128xf32, #tpu.memory_space<hbm>>
      tpu.wait_dma2 semaphore(%run_scoped3A : memref<!tpu.dma_semaphore, #tpu.memory_space<semaphore_mem>>) src(%arg6 : memref<128x128xf32, #tpu.memory_space<vmem>>) dst(%dma_wait3A_122 : memref<128x128xf32, #tpu.memory_space<hbm>>)
      tpu.yield
    }) : () -> ()
    %dma_start3A_26 = arith.constant 2 : i32
    %dma_start3A_27 = arith.constant 0 : i32
    %dma_start3A_28 = tpu.memref_slice %arg5[%dma_start3A_26, %dma_start3A_27] : memref<8x128xi32, #tpu.memory_space<vmem>> -> memref<1x128xi32, #tpu.memory_space<vmem>>
    %dma_start3A_29 = tpu.memref_squeeze %dma_start3A_28 : memref<1x128xi32, #tpu.memory_space<vmem>> -> memref<128xi32, #tpu.memory_space<vmem>>
    %dma_start3A_30 = arith.constant 0 : i32
    %dma_start3A_31 = arith.constant 0 : i32
    %dma_start3A_32 = tpu.memref_slice %arg2[%dma_start3A_30, %dma_start3A_31] : memref<4096x128xf32, #tpu.memory_space<hbm>> -> memref<4096x128xf32, #tpu.memory_space<hbm>>
    tpu.enqueue_indirect_dma source(%dma_start3A_32 : memref<4096x128xf32, #tpu.memory_space<hbm>>) target(%arg6 : memref<128x128xf32, #tpu.memory_space<vmem>>) offsets(%dma_start3A_29 : memref<128xi32, #tpu.memory_space<vmem>>) semaphore(%arg8 : memref<!tpu.dma_semaphore, #tpu.memory_space<semaphore_mem>>)
    %dma_wait3A_33 = arith.constant 1 : i32
    %dma_wait3A_34 = arith.constant 0 : i32
    %dma_wait3A_35 = tpu.memref_slice %arg5[%dma_wait3A_33, %dma_wait3A_34] : memref<8x128xi32, #tpu.memory_space<vmem>> -> memref<1x128xi32, #tpu.memory_space<vmem>>
    %dma_wait3A_36 = tpu.memref_squeeze %dma_wait3A_35 : memref<1x128xi32, #tpu.memory_space<vmem>> -> memref<128xi32, #tpu.memory_space<vmem>>
    %dma_wait3A_37 = arith.constant 0 : i32
    %dma_wait3A_38 = arith.constant 0 : i32
    %dma_wait3A_39 = tpu.memref_slice %arg2[%dma_wait3A_37, %dma_wait3A_38] : memref<4096x128xf32, #tpu.memory_space<hbm>> -> memref<4096x128xf32, #tpu.memory_space<hbm>>
    tpu.wait_indirect_dma semaphore(%arg9 : memref<!tpu.dma_semaphore, #tpu.memory_space<semaphore_mem>>) src(%dma_wait3A_39 : memref<4096x128xf32, #tpu.memory_space<hbm>>) dst(%arg7 : memref<128x128xf32, #tpu.memory_space<vmem>>)
    %add3A_40 = arith.constant 128 : i32
    %add3A_41 = arith.addi %mul3A_2, %add3A_40 : i32
    "tpu.region"() ({
      %run_scoped3A = tpu.sem_alloc : memref<!tpu.dma_semaphore, #tpu.memory_space<semaphore_mem>>
      %dma_start3A_115 = arith.constant 0 : i32
      %dma_start3A_116 = tpu.memref_slice %arg4[%add3A_41, %dma_start3A_115] : memref<28672x128xf32, #tpu.memory_space<hbm>> -> memref<128x128xf32, #tpu.memory_space<hbm>>
      %dma_start3A_117 = arith.constant 0 : i32
      %dma_start3A_118 = tpu.memref_slice %arg4[%add3A_41, %dma_start3A_117] : memref<28672x128xf32, #tpu.memory_space<hbm>> -> memref<128x128xf32, #tpu.memory_space<hbm>>
      tpu.enqueue_dma source(%arg7 : memref<128x128xf32, #tpu.memory_space<vmem>>) target(%dma_start3A_118 : memref<128x128xf32, #tpu.memory_space<hbm>>) target_semaphore(%run_scoped3A : memref<!tpu.dma_semaphore, #tpu.memory_space<semaphore_mem>>)
      %dma_wait3A_119 = arith.constant 0 : i32
      %dma_wait3A_120 = tpu.memref_slice %arg4[%add3A_41, %dma_wait3A_119] : memref<28672x128xf32, #tpu.memory_space<hbm>> -> memref<128x128xf32, #tpu.memory_space<hbm>>
      %dma_wait3A_121 = arith.constant 0 : i32
      %dma_wait3A_122 = tpu.memref_slice %arg4[%add3A_41, %dma_wait3A_121] : memref<28672x128xf32, #tpu.memory_space<hbm>> -> memref<128x128xf32, #tpu.memory_space<hbm>>
      tpu.wait_dma2 semaphore(%run_scoped3A : memref<!tpu.dma_semaphore, #tpu.memory_space<semaphore_mem>>) src(%arg7 : memref<128x128xf32, #tpu.memory_space<vmem>>) dst(%dma_wait3A_122 : memref<128x128xf32, #tpu.memory_space<hbm>>)
      tpu.yield
    }) : () -> ()
    %dma_start3A_42 = arith.constant 3 : i32
    %dma_start3A_43 = arith.constant 0 : i32
    %dma_start3A_44 = tpu.memref_slice %arg5[%dma_start3A_42, %dma_start3A_43] : memref<8x128xi32, #tpu.memory_space<vmem>> -> memref<1x128xi32, #tpu.memory_space<vmem>>
    %dma_start3A_45 = tpu.memref_squeeze %dma_start3A_44 : memref<1x128xi32, #tpu.memory_space<vmem>> -> memref<128xi32, #tpu.memory_space<vmem>>
    %dma_start3A_46 = arith.constant 0 : i32
    %dma_start3A_47 = arith.constant 0 : i32
    %dma_start3A_48 = tpu.memref_slice %arg2[%dma_start3A_46, %dma_start3A_47] : memref<4096x128xf32, #tpu.memory_space<hbm>> -> memref<4096x128xf32, #tpu.memory_space<hbm>>
    tpu.enqueue_indirect_dma source(%dma_start3A_48 : memref<4096x128xf32, #tpu.memory_space<hbm>>) target(%arg7 : memref<128x128xf32, #tpu.memory_space<vmem>>) offsets(%dma_start3A_45 : memref<128xi32, #tpu.memory_space<vmem>>) semaphore(%arg9 : memref<!tpu.dma_semaphore, #tpu.memory_space<semaphore_mem>>)
    %dma_wait3A_49 = arith.constant 2 : i32
    %dma_wait3A_50 = arith.constant 0 : i32
    %dma_wait3A_51 = tpu.memref_slice %arg5[%dma_wait3A_49, %dma_wait3A_50] : memref<8x128xi32, #tpu.memory_space<vmem>> -> memref<1x128xi32, #tpu.memory_space<vmem>>
    %dma_wait3A_52 = tpu.memref_squeeze %dma_wait3A_51 : memref<1x128xi32, #tpu.memory_space<vmem>> -> memref<128xi32, #tpu.memory_space<vmem>>
    %dma_wait3A_53 = arith.constant 0 : i32
    %dma_wait3A_54 = arith.constant 0 : i32
    %dma_wait3A_55 = tpu.memref_slice %arg2[%dma_wait3A_53, %dma_wait3A_54] : memref<4096x128xf32, #tpu.memory_space<hbm>> -> memref<4096x128xf32, #tpu.memory_space<hbm>>
    tpu.wait_indirect_dma semaphore(%arg8 : memref<!tpu.dma_semaphore, #tpu.memory_space<semaphore_mem>>) src(%dma_wait3A_55 : memref<4096x128xf32, #tpu.memory_space<hbm>>) dst(%arg6 : memref<128x128xf32, #tpu.memory_space<vmem>>)
    %add3A_56 = arith.constant 256 : i32
    %add3A_57 = arith.addi %mul3A_2, %add3A_56 : i32
    "tpu.region"() ({
      %run_scoped3A = tpu.sem_alloc : memref<!tpu.dma_semaphore, #tpu.memory_space<semaphore_mem>>
      %dma_start3A_115 = arith.constant 0 : i32
      %dma_start3A_116 = tpu.memref_slice %arg4[%add3A_57, %dma_start3A_115] : memref<28672x128xf32, #tpu.memory_space<hbm>> -> memref<128x128xf32, #tpu.memory_space<hbm>>
      %dma_start3A_117 = arith.constant 0 : i32
      %dma_start3A_118 = tpu.memref_slice %arg4[%add3A_57, %dma_start3A_117] : memref<28672x128xf32, #tpu.memory_space<hbm>> -> memref<128x128xf32, #tpu.memory_space<hbm>>
      tpu.enqueue_dma source(%arg6 : memref<128x128xf32, #tpu.memory_space<vmem>>) target(%dma_start3A_118 : memref<128x128xf32, #tpu.memory_space<hbm>>) target_semaphore(%run_scoped3A : memref<!tpu.dma_semaphore, #tpu.memory_space<semaphore_mem>>)
      %dma_wait3A_119 = arith.constant 0 : i32
      %dma_wait3A_120 = tpu.memref_slice %arg4[%add3A_57, %dma_wait3A_119] : memref<28672x128xf32, #tpu.memory_space<hbm>> -> memref<128x128xf32, #tpu.memory_space<hbm>>
      %dma_wait3A_121 = arith.constant 0 : i32
      %dma_wait3A_122 = tpu.memref_slice %arg4[%add3A_57, %dma_wait3A_121] : memref<28672x128xf32, #tpu.memory_space<hbm>> -> memref<128x128xf32, #tpu.memory_space<hbm>>
      tpu.wait_dma2 semaphore(%run_scoped3A : memref<!tpu.dma_semaphore, #tpu.memory_space<semaphore_mem>>) src(%arg6 : memref<128x128xf32, #tpu.memory_space<vmem>>) dst(%dma_wait3A_122 : memref<128x128xf32, #tpu.memory_space<hbm>>)
      tpu.yield
    }) : () -> ()
    %dma_start3A_58 = arith.constant 4 : i32
    %dma_start3A_59 = arith.constant 0 : i32
    %dma_start3A_60 = tpu.memref_slice %arg5[%dma_start3A_58, %dma_start3A_59] : memref<8x128xi32, #tpu.memory_space<vmem>> -> memref<1x128xi32, #tpu.memory_space<vmem>>
    %dma_start3A_61 = tpu.memref_squeeze %dma_start3A_60 : memref<1x128xi32, #tpu.memory_space<vmem>> -> memref<128xi32, #tpu.memory_space<vmem>>
    %dma_start3A_62 = arith.constant 0 : i32
    %dma_start3A_63 = arith.constant 0 : i32
    %dma_start3A_64 = tpu.memref_slice %arg2[%dma_start3A_62, %dma_start3A_63] : memref<4096x128xf32, #tpu.memory_space<hbm>> -> memref<4096x128xf32, #tpu.memory_space<hbm>>
    tpu.enqueue_indirect_dma source(%dma_start3A_64 : memref<4096x128xf32, #tpu.memory_space<hbm>>) target(%arg6 : memref<128x128xf32, #tpu.memory_space<vmem>>) offsets(%dma_start3A_61 : memref<128xi32, #tpu.memory_space<vmem>>) semaphore(%arg8 : memref<!tpu.dma_semaphore, #tpu.memory_space<semaphore_mem>>)
    %dma_wait3A_65 = arith.constant 3 : i32
    %dma_wait3A_66 = arith.constant 0 : i32
    %dma_wait3A_67 = tpu.memref_slice %arg5[%dma_wait3A_65, %dma_wait3A_66] : memref<8x128xi32, #tpu.memory_space<vmem>> -> memref<1x128xi32, #tpu.memory_space<vmem>>
    %dma_wait3A_68 = tpu.memref_squeeze %dma_wait3A_67 : memref<1x128xi32, #tpu.memory_space<vmem>> -> memref<128xi32, #tpu.memory_space<vmem>>
    %dma_wait3A_69 = arith.constant 0 : i32
    %dma_wait3A_70 = arith.constant 0 : i32
    %dma_wait3A_71 = tpu.memref_slice %arg2[%dma_wait3A_69, %dma_wait3A_70] : memref<4096x128xf32, #tpu.memory_space<hbm>> -> memref<4096x128xf32, #tpu.memory_space<hbm>>
    tpu.wait_indirect_dma semaphore(%arg9 : memref<!tpu.dma_semaphore, #tpu.memory_space<semaphore_mem>>) src(%dma_wait3A_71 : memref<4096x128xf32, #tpu.memory_space<hbm>>) dst(%arg7 : memref<128x128xf32, #tpu.memory_space<vmem>>)
    %add3A_72 = arith.constant 384 : i32
    %add3A_73 = arith.addi %mul3A_2, %add3A_72 : i32
    "tpu.region"() ({
      %run_scoped3A = tpu.sem_alloc : memref<!tpu.dma_semaphore, #tpu.memory_space<semaphore_mem>>
      %dma_start3A_115 = arith.constant 0 : i32
      %dma_start3A_116 = tpu.memref_slice %arg4[%add3A_73, %dma_start3A_115] : memref<28672x128xf32, #tpu.memory_space<hbm>> -> memref<128x128xf32, #tpu.memory_space<hbm>>
      %dma_start3A_117 = arith.constant 0 : i32
      %dma_start3A_118 = tpu.memref_slice %arg4[%add3A_73, %dma_start3A_117] : memref<28672x128xf32, #tpu.memory_space<hbm>> -> memref<128x128xf32, #tpu.memory_space<hbm>>
      tpu.enqueue_dma source(%arg7 : memref<128x128xf32, #tpu.memory_space<vmem>>) target(%dma_start3A_118 : memref<128x128xf32, #tpu.memory_space<hbm>>) target_semaphore(%run_scoped3A : memref<!tpu.dma_semaphore, #tpu.memory_space<semaphore_mem>>)
      %dma_wait3A_119 = arith.constant 0 : i32
      %dma_wait3A_120 = tpu.memref_slice %arg4[%add3A_73, %dma_wait3A_119] : memref<28672x128xf32, #tpu.memory_space<hbm>> -> memref<128x128xf32, #tpu.memory_space<hbm>>
      %dma_wait3A_121 = arith.constant 0 : i32
      %dma_wait3A_122 = tpu.memref_slice %arg4[%add3A_73, %dma_wait3A_121] : memref<28672x128xf32, #tpu.memory_space<hbm>> -> memref<128x128xf32, #tpu.memory_space<hbm>>
      tpu.wait_dma2 semaphore(%run_scoped3A : memref<!tpu.dma_semaphore, #tpu.memory_space<semaphore_mem>>) src(%arg7 : memref<128x128xf32, #tpu.memory_space<vmem>>) dst(%dma_wait3A_122 : memref<128x128xf32, #tpu.memory_space<hbm>>)
      tpu.yield
    }) : () -> ()
    %dma_start3A_74 = arith.constant 5 : i32
    %dma_start3A_75 = arith.constant 0 : i32
    %dma_start3A_76 = tpu.memref_slice %arg5[%dma_start3A_74, %dma_start3A_75] : memref<8x128xi32, #tpu.memory_space<vmem>> -> memref<1x128xi32, #tpu.memory_space<vmem>>
    %dma_start3A_77 = tpu.memref_squeeze %dma_start3A_76 : memref<1x128xi32, #tpu.memory_space<vmem>> -> memref<128xi32, #tpu.memory_space<vmem>>
    %dma_start3A_78 = arith.constant 0 : i32
    %dma_start3A_79 = arith.constant 0 : i32
    %dma_start3A_80 = tpu.memref_slice %arg2[%dma_start3A_78, %dma_start3A_79] : memref<4096x128xf32, #tpu.memory_space<hbm>> -> memref<4096x128xf32, #tpu.memory_space<hbm>>
    tpu.enqueue_indirect_dma source(%dma_start3A_80 : memref<4096x128xf32, #tpu.memory_space<hbm>>) target(%arg7 : memref<128x128xf32, #tpu.memory_space<vmem>>) offsets(%dma_start3A_77 : memref<128xi32, #tpu.memory_space<vmem>>) semaphore(%arg9 : memref<!tpu.dma_semaphore, #tpu.memory_space<semaphore_mem>>)
    %dma_wait3A_81 = arith.constant 4 : i32
    %dma_wait3A_82 = arith.constant 0 : i32
    %dma_wait3A_83 = tpu.memref_slice %arg5[%dma_wait3A_81, %dma_wait3A_82] : memref<8x128xi32, #tpu.memory_space<vmem>> -> memref<1x128xi32, #tpu.memory_space<vmem>>
    %dma_wait3A_84 = tpu.memref_squeeze %dma_wait3A_83 : memref<1x128xi32, #tpu.memory_space<vmem>> -> memref<128xi32, #tpu.memory_space<vmem>>
    %dma_wait3A_85 = arith.constant 0 : i32
    %dma_wait3A_86 = arith.constant 0 : i32
    %dma_wait3A_87 = tpu.memref_slice %arg2[%dma_wait3A_85, %dma_wait3A_86] : memref<4096x128xf32, #tpu.memory_space<hbm>> -> memref<4096x128xf32, #tpu.memory_space<hbm>>
    tpu.wait_indirect_dma semaphore(%arg8 : memref<!tpu.dma_semaphore, #tpu.memory_space<semaphore_mem>>) src(%dma_wait3A_87 : memref<4096x128xf32, #tpu.memory_space<hbm>>) dst(%arg6 : memref<128x128xf32, #tpu.memory_space<vmem>>)
    %add3A_88 = arith.constant 512 : i32
    %add3A_89 = arith.addi %mul3A_2, %add3A_88 : i32
    "tpu.region"() ({
      %run_scoped3A = tpu.sem_alloc : memref<!tpu.dma_semaphore, #tpu.memory_space<semaphore_mem>>
      %dma_start3A_115 = arith.constant 0 : i32
      %dma_start3A_116 = tpu.memref_slice %arg4[%add3A_89, %dma_start3A_115] : memref<28672x128xf32, #tpu.memory_space<hbm>> -> memref<128x128xf32, #tpu.memory_space<hbm>>
      %dma_start3A_117 = arith.constant 0 : i32
      %dma_start3A_118 = tpu.memref_slice %arg4[%add3A_89, %dma_start3A_117] : memref<28672x128xf32, #tpu.memory_space<hbm>> -> memref<128x128xf32, #tpu.memory_space<hbm>>
      tpu.enqueue_dma source(%arg6 : memref<128x128xf32, #tpu.memory_space<vmem>>) target(%dma_start3A_118 : memref<128x128xf32, #tpu.memory_space<hbm>>) target_semaphore(%run_scoped3A : memref<!tpu.dma_semaphore, #tpu.memory_space<semaphore_mem>>)
      %dma_wait3A_119 = arith.constant 0 : i32
      %dma_wait3A_120 = tpu.memref_slice %arg4[%add3A_89, %dma_wait3A_119] : memref<28672x128xf32, #tpu.memory_space<hbm>> -> memref<128x128xf32, #tpu.memory_space<hbm>>
      %dma_wait3A_121 = arith.constant 0 : i32
      %dma_wait3A_122 = tpu.memref_slice %arg4[%add3A_89, %dma_wait3A_121] : memref<28672x128xf32, #tpu.memory_space<hbm>> -> memref<128x128xf32, #tpu.memory_space<hbm>>
      tpu.wait_dma2 semaphore(%run_scoped3A : memref<!tpu.dma_semaphore, #tpu.memory_space<semaphore_mem>>) src(%arg6 : memref<128x128xf32, #tpu.memory_space<vmem>>) dst(%dma_wait3A_122 : memref<128x128xf32, #tpu.memory_space<hbm>>)
      tpu.yield
    }) : () -> ()
    %dma_start3A_90 = arith.constant 6 : i32
    %dma_start3A_91 = arith.constant 0 : i32
    %dma_start3A_92 = tpu.memref_slice %arg5[%dma_start3A_90, %dma_start3A_91] : memref<8x128xi32, #tpu.memory_space<vmem>> -> memref<1x128xi32, #tpu.memory_space<vmem>>
    %dma_start3A_93 = tpu.memref_squeeze %dma_start3A_92 : memref<1x128xi32, #tpu.memory_space<vmem>> -> memref<128xi32, #tpu.memory_space<vmem>>
    %dma_start3A_94 = arith.constant 0 : i32
    %dma_start3A_95 = arith.constant 0 : i32
    %dma_start3A_96 = tpu.memref_slice %arg2[%dma_start3A_94, %dma_start3A_95] : memref<4096x128xf32, #tpu.memory_space<hbm>> -> memref<4096x128xf32, #tpu.memory_space<hbm>>
    tpu.enqueue_indirect_dma source(%dma_start3A_96 : memref<4096x128xf32, #tpu.memory_space<hbm>>) target(%arg6 : memref<128x128xf32, #tpu.memory_space<vmem>>) offsets(%dma_start3A_93 : memref<128xi32, #tpu.memory_space<vmem>>) semaphore(%arg8 : memref<!tpu.dma_semaphore, #tpu.memory_space<semaphore_mem>>)
    %dma_wait3A_97 = arith.constant 5 : i32
    %dma_wait3A_98 = arith.constant 0 : i32
    %dma_wait3A_99 = tpu.memref_slice %arg5[%dma_wait3A_97, %dma_wait3A_98] : memref<8x128xi32, #tpu.memory_space<vmem>> -> memref<1x128xi32, #tpu.memory_space<vmem>>
    %dma_wait3A_100 = tpu.memref_squeeze %dma_wait3A_99 : memref<1x128xi32, #tpu.memory_space<vmem>> -> memref<128xi32, #tpu.memory_space<vmem>>
    %dma_wait3A_101 = arith.constant 0 : i32
    %dma_wait3A_102 = arith.constant 0 : i32
    %dma_wait3A_103 = tpu.memref_slice %arg2[%dma_wait3A_101, %dma_wait3A_102] : memref<4096x128xf32, #tpu.memory_space<hbm>> -> memref<4096x128xf32, #tpu.memory_space<hbm>>
    tpu.wait_indirect_dma semaphore(%arg9 : memref<!tpu.dma_semaphore, #tpu.memory_space<semaphore_mem>>) src(%dma_wait3A_103 : memref<4096x128xf32, #tpu.memory_space<hbm>>) dst(%arg7 : memref<128x128xf32, #tpu.memory_space<vmem>>)
    %add3A_104 = arith.constant 640 : i32
    %add3A_105 = arith.addi %mul3A_2, %add3A_104 : i32
    "tpu.region"() ({
      %run_scoped3A = tpu.sem_alloc : memref<!tpu.dma_semaphore, #tpu.memory_space<semaphore_mem>>
      %dma_start3A_115 = arith.constant 0 : i32
      %dma_start3A_116 = tpu.memref_slice %arg4[%add3A_105, %dma_start3A_115] : memref<28672x128xf32, #tpu.memory_space<hbm>> -> memref<128x128xf32, #tpu.memory_space<hbm>>
      %dma_start3A_117 = arith.constant 0 : i32
      %dma_start3A_118 = tpu.memref_slice %arg4[%add3A_105, %dma_start3A_117] : memref<28672x128xf32, #tpu.memory_space<hbm>> -> memref<128x128xf32, #tpu.memory_space<hbm>>
      tpu.enqueue_dma source(%arg7 : memref<128x128xf32, #tpu.memory_space<vmem>>) target(%dma_start3A_118 : memref<128x128xf32, #tpu.memory_space<hbm>>) target_semaphore(%run_scoped3A : memref<!tpu.dma_semaphore, #tpu.memory_space<semaphore_mem>>)
      %dma_wait3A_119 = arith.constant 0 : i32
      %dma_wait3A_120 = tpu.memref_slice %arg4[%add3A_105, %dma_wait3A_119] : memref<28672x128xf32, #tpu.memory_space<hbm>> -> memref<128x128xf32, #tpu.memory_space<hbm>>
      %dma_wait3A_121 = arith.constant 0 : i32
      %dma_wait3A_122 = tpu.memref_slice %arg4[%add3A_105, %dma_wait3A_121] : memref<28672x128xf32, #tpu.memory_space<hbm>> -> memref<128x128xf32, #tpu.memory_space<hbm>>
      tpu.wait_dma2 semaphore(%run_scoped3A : memref<!tpu.dma_semaphore, #tpu.memory_space<semaphore_mem>>) src(%arg7 : memref<128x128xf32, #tpu.memory_space<vmem>>) dst(%dma_wait3A_122 : memref<128x128xf32, #tpu.memory_space<hbm>>)
      tpu.yield
    }) : () -> ()
    %dma_wait3A_106 = arith.constant 6 : i32
    %dma_wait3A_107 = arith.constant 0 : i32
    %dma_wait3A_108 = tpu.memref_slice %arg5[%dma_wait3A_106, %dma_wait3A_107] : memref<8x128xi32, #tpu.memory_space<vmem>> -> memref<1x128xi32, #tpu.memory_space<vmem>>
    %dma_wait3A_109 = tpu.memref_squeeze %dma_wait3A_108 : memref<1x128xi32, #tpu.memory_space<vmem>> -> memref<128xi32, #tpu.memory_space<vmem>>
    %dma_wait3A_110 = arith.constant 0 : i32
    %dma_wait3A_111 = arith.constant 0 : i32
    %dma_wait3A_112 = tpu.memref_slice %arg2[%dma_wait3A_110, %dma_wait3A_111] : memref<4096x128xf32, #tpu.memory_space<hbm>> -> memref<4096x128xf32, #tpu.memory_space<hbm>>
    tpu.wait_indirect_dma semaphore(%arg8 : memref<!tpu.dma_semaphore, #tpu.memory_space<semaphore_mem>>) src(%dma_wait3A_112 : memref<4096x128xf32, #tpu.memory_space<hbm>>) dst(%arg6 : memref<128x128xf32, #tpu.memory_space<vmem>>)
    %add3A_113 = arith.constant 768 : i32
    %add3A_114 = arith.addi %mul3A_2, %add3A_113 : i32
    "tpu.region"() ({
      %run_scoped3A = tpu.sem_alloc : memref<!tpu.dma_semaphore, #tpu.memory_space<semaphore_mem>>
      %dma_start3A_115 = arith.constant 0 : i32
      %dma_start3A_116 = tpu.memref_slice %arg4[%add3A_114, %dma_start3A_115] : memref<28672x128xf32, #tpu.memory_space<hbm>> -> memref<128x128xf32, #tpu.memory_space<hbm>>
      %dma_start3A_117 = arith.constant 0 : i32
      %dma_start3A_118 = tpu.memref_slice %arg4[%add3A_114, %dma_start3A_117] : memref<28672x128xf32, #tpu.memory_space<hbm>> -> memref<128x128xf32, #tpu.memory_space<hbm>>
      tpu.enqueue_dma source(%arg6 : memref<128x128xf32, #tpu.memory_space<vmem>>) target(%dma_start3A_118 : memref<128x128xf32, #tpu.memory_space<hbm>>) target_semaphore(%run_scoped3A : memref<!tpu.dma_semaphore, #tpu.memory_space<semaphore_mem>>)
      %dma_wait3A_119 = arith.constant 0 : i32
      %dma_wait3A_120 = tpu.memref_slice %arg4[%add3A_114, %dma_wait3A_119] : memref<28672x128xf32, #tpu.memory_space<hbm>> -> memref<128x128xf32, #tpu.memory_space<hbm>>
      %dma_wait3A_121 = arith.constant 0 : i32
      %dma_wait3A_122 = tpu.memref_slice %arg4[%add3A_114, %dma_wait3A_121] : memref<28672x128xf32, #tpu.memory_space<hbm>> -> memref<128x128xf32, #tpu.memory_space<hbm>>
      tpu.wait_dma2 semaphore(%run_scoped3A : memref<!tpu.dma_semaphore, #tpu.memory_space<semaphore_mem>>) src(%arg6 : memref<128x128xf32, #tpu.memory_space<vmem>>) dst(%dma_wait3A_122 : memref<128x128xf32, #tpu.memory_space<hbm>>)
      tpu.yield
    }) : () -> ()
    return
  }
}

#map = affine_map<(d0, d1) -> (0, 0)>
module attributes {stable_mosaic.version = 14 : i64} {
  func.func @k(%arg0: i32, %arg1: i32, %arg2: memref<4096x128xf32, #tpu.memory_space<hbm>>, %arg3: memref<256x128xi32, #tpu.memory_space<hbm>>, %arg4: memref<28672x128xf32, #tpu.memory_space<hbm>>, %arg5: memref<8x128xi32, #tpu.memory_space<vmem>>, %arg6: memref<128x128xf32, #tpu.memory_space<vmem>>, %arg7: memref<128x128xf32, #tpu.memory_space<vmem>>, %arg8: memref<!tpu.dma_semaphore, #tpu.memory_space<semaphore_mem>>, %arg9: memref<!tpu.dma_semaphore, #tpu.memory_space<semaphore_mem>>) attributes {dimension_semantics = [#tpu.dimension_semantics<core_parallel>, #tpu.dimension_semantics<subcore_parallel>], iteration_bounds = array<i64: 2, 16>, scalar_prefetch = 0 : i64, scratch_operands = 5 : i64, tpu.core_type = #tpu.core_type<sc_vector_subcore>, window_params = [{transform_indices = #map}, {transform_indices = #map}, {transform_indices = #map}]} {
    %mul3A = arith.constant 2 : i32
    %mul3A_0 = arith.muli %arg1, %mul3A : i32
    %add3A = arith.addi %mul3A_0, %arg0 : i32
    %mul3A_1 = arith.constant 896 : i32
    %mul3A_2 = arith.muli %add3A, %mul3A_1 : i32
    %mul3A_3 = arith.constant 8 : i32
    %mul3A_4 = arith.muli %add3A, %mul3A_3 : i32
    "tpu.region"() ({
      %run_scoped3A = tpu.sem_alloc : memref<!tpu.dma_semaphore, #tpu.memory_space<semaphore_mem>>
      %dma_start3A_115 = arith.constant 0 : i32
      %dma_start3A_116 = tpu.memref_slice %arg3[%mul3A_4, %dma_start3A_115] : memref<256x128xi32, #tpu.memory_space<hbm>> -> memref<8x128xi32, #tpu.memory_space<hbm>>
      %dma_start3A_117 = arith.constant 0 : i32
      %dma_start3A_118 = tpu.memref_slice %arg3[%mul3A_4, %dma_start3A_117] : memref<256x128xi32, #tpu.memory_space<hbm>> -> memref<8x128xi32, #tpu.memory_space<hbm>>
      tpu.enqueue_dma source(%dma_start3A_118 : memref<8x128xi32, #tpu.memory_space<hbm>>) target(%arg5 : memref<8x128xi32, #tpu.memory_space<vmem>>) target_semaphore(%run_scoped3A : memref<!tpu.dma_semaphore, #tpu.memory_space<semaphore_mem>>)
      %dma_wait3A_119 = arith.constant 0 : i32
      %dma_wait3A_120 = tpu.memref_slice %arg3[%mul3A_4, %dma_wait3A_119] : memref<256x128xi32, #tpu.memory_space<hbm>> -> memref<8x128xi32, #tpu.memory_space<hbm>>
      %dma_wait3A_121 = arith.constant 0 : i32
      %dma_wait3A_122 = tpu.memref_slice %arg3[%mul3A_4, %dma_wait3A_121] : memref<256x128xi32, #tpu.memory_space<hbm>> -> memref<8x128xi32, #tpu.memory_space<hbm>>
      tpu.wait_dma2 semaphore(%run_scoped3A : memref<!tpu.dma_semaphore, #tpu.memory_space<semaphore_mem>>) src(%dma_wait3A_122 : memref<8x128xi32, #tpu.memory_space<hbm>>) dst(%arg5 : memref<8x128xi32, #tpu.memory_space<vmem>>)
      tpu.yield
    }) : () -> ()
    %dma_start3A = arith.constant 0 : i32
    %dma_start3A_5 = arith.constant 0 : i32
    %dma_start3A_6 = tpu.memref_slice %arg5[%dma_start3A, %dma_start3A_5] : memref<8x128xi32, #tpu.memory_space<vmem>> -> memref<1x128xi32, #tpu.memory_space<vmem>>
    %dma_start3A_7 = tpu.memref_squeeze %dma_start3A_6 : memref<1x128xi32, #tpu.memory_space<vmem>> -> memref<128xi32, #tpu.memory_space<vmem>>
    %dma_start3A_8 = arith.constant 0 : i32
    %dma_start3A_9 = arith.constant 0 : i32
    %dma_start3A_10 = tpu.memref_slice %arg2[%dma_start3A_8, %dma_start3A_9] : memref<4096x128xf32, #tpu.memory_space<hbm>> -> memref<4096x128xf32, #tpu.memory_space<hbm>>
    tpu.enqueue_indirect_dma source(%dma_start3A_10 : memref<4096x128xf32, #tpu.memory_space<hbm>>) target(%arg6 : memref<128x128xf32, #tpu.memory_space<vmem>>) offsets(%dma_start3A_7 : memref<128xi32, #tpu.memory_space<vmem>>) semaphore(%arg8 : memref<!tpu.dma_semaphore, #tpu.memory_space<semaphore_mem>>)
    %dma_start3A_11 = arith.constant 1 : i32
    %dma_start3A_12 = arith.constant 0 : i32
    %dma_start3A_13 = tpu.memref_slice %arg5[%dma_start3A_11, %dma_start3A_12] : memref<8x128xi32, #tpu.memory_space<vmem>> -> memref<1x128xi32, #tpu.memory_space<vmem>>
    %dma_start3A_14 = tpu.memref_squeeze %dma_start3A_13 : memref<1x128xi32, #tpu.memory_space<vmem>> -> memref<128xi32, #tpu.memory_space<vmem>>
    %dma_start3A_15 = arith.constant 0 : i32
    %dma_start3A_16 = arith.constant 0 : i32
    %dma_start3A_17 = tpu.memref_slice %arg2[%dma_start3A_15, %dma_start3A_16] : memref<4096x128xf32, #tpu.memory_space<hbm>> -> memref<4096x128xf32, #tpu.memory_space<hbm>>
    tpu.enqueue_indirect_dma source(%dma_start3A_17 : memref<4096x128xf32, #tpu.memory_space<hbm>>) target(%arg7 : memref<128x128xf32, #tpu.memory_space<vmem>>) offsets(%dma_start3A_14 : memref<128xi32, #tpu.memory_space<vmem>>) semaphore(%arg9 : memref<!tpu.dma_semaphore, #tpu.memory_space<semaphore_mem>>)
    %dma_wait3A = arith.constant 0 : i32
    %dma_wait3A_18 = arith.constant 0 : i32
    %dma_wait3A_19 = tpu.memref_slice %arg5[%dma_wait3A, %dma_wait3A_18] : memref<8x128xi32, #tpu.memory_space<vmem>> -> memref<1x128xi32, #tpu.memory_space<vmem>>
    %dma_wait3A_20 = tpu.memref_squeeze %dma_wait3A_19 : memref<1x128xi32, #tpu.memory_space<vmem>> -> memref<128xi32, #tpu.memory_space<vmem>>
    %dma_wait3A_21 = arith.constant 0 : i32
    %dma_wait3A_22 = arith.constant 0 : i32
    %dma_wait3A_23 = tpu.memref_slice %arg2[%dma_wait3A_21, %dma_wait3A_22] : memref<4096x128xf32, #tpu.memory_space<hbm>> -> memref<4096x128xf32, #tpu.memory_space<hbm>>
    tpu.wait_indirect_dma semaphore(%arg8 : memref<!tpu.dma_semaphore, #tpu.memory_space<semaphore_mem>>) src(%dma_wait3A_23 : memref<4096x128xf32, #tpu.memory_space<hbm>>) dst(%arg6 : memref<128x128xf32, #tpu.memory_space<vmem>>)
    %add3A_24 = arith.constant 0 : i32
    %add3A_25 = arith.addi %mul3A_2, %add3A_24 : i32
    "tpu.region"() ({
      %run_scoped3A = tpu.sem_alloc : memref<!tpu.dma_semaphore, #tpu.memory_space<semaphore_mem>>
      %dma_start3A_115 = arith.constant 0 : i32
      %dma_start3A_116 = tpu.memref_slice %arg4[%add3A_25, %dma_start3A_115] : memref<28672x128xf32, #tpu.memory_space<hbm>> -> memref<128x128xf32, #tpu.memory_space<hbm>>
      %dma_start3A_117 = arith.constant 0 : i32
      %dma_start3A_118 = tpu.memref_slice %arg4[%add3A_25, %dma_start3A_117] : memref<28672x128xf32, #tpu.memory_space<hbm>> -> memref<128x128xf32, #tpu.memory_space<hbm>>
      tpu.enqueue_dma source(%arg6 : memref<128x128xf32, #tpu.memory_space<vmem>>) target(%dma_start3A_118 : memref<128x128xf32, #tpu.memory_space<hbm>>) target_semaphore(%run_scoped3A : memref<!tpu.dma_semaphore, #tpu.memory_space<semaphore_mem>>)
      %dma_wait3A_119 = arith.constant 0 : i32
      %dma_wait3A_120 = tpu.memref_slice %arg4[%add3A_25, %dma_wait3A_119] : memref<28672x128xf32, #tpu.memory_space<hbm>> -> memref<128x128xf32, #tpu.memory_space<hbm>>
      %dma_wait3A_121 = arith.constant 0 : i32
      %dma_wait3A_122 = tpu.memref_slice %arg4[%add3A_25, %dma_wait3A_121] : memref<28672x128xf32, #tpu.memory_space<hbm>> -> memref<128x128xf32, #tpu.memory_space<hbm>>
      tpu.wait_dma2 semaphore(%run_scoped3A : memref<!tpu.dma_semaphore, #tpu.memory_space<semaphore_mem>>) src(%arg6 : memref<128x128xf32, #tpu.memory_space<vmem>>) dst(%dma_wait3A_122 : memref<128x128xf32, #tpu.memory_space<hbm>>)
      tpu.yield
    }) : () -> ()
    %dma_start3A_26 = arith.constant 2 : i32
    %dma_start3A_27 = arith.constant 0 : i32
    %dma_start3A_28 = tpu.memref_slice %arg5[%dma_start3A_26, %dma_start3A_27] : memref<8x128xi32, #tpu.memory_space<vmem>> -> memref<1x128xi32, #tpu.memory_space<vmem>>
    %dma_start3A_29 = tpu.memref_squeeze %dma_start3A_28 : memref<1x128xi32, #tpu.memory_space<vmem>> -> memref<128xi32, #tpu.memory_space<vmem>>
    %dma_start3A_30 = arith.constant 0 : i32
    %dma_start3A_31 = arith.constant 0 : i32
    %dma_start3A_32 = tpu.memref_slice %arg2[%dma_start3A_30, %dma_start3A_31] : memref<4096x128xf32, #tpu.memory_space<hbm>> -> memref<4096x128xf32, #tpu.memory_space<hbm>>
    tpu.enqueue_indirect_dma source(%dma_start3A_32 : memref<4096x128xf32, #tpu.memory_space<hbm>>) target(%arg6 : memref<128x128xf32, #tpu.memory_space<vmem>>) offsets(%dma_start3A_29 : memref<128xi32, #tpu.memory_space<vmem>>) semaphore(%arg8 : memref<!tpu.dma_semaphore, #tpu.memory_space<semaphore_mem>>)
    %dma_wait3A_33 = arith.constant 1 : i32
    %dma_wait3A_34 = arith.constant 0 : i32
    %dma_wait3A_35 = tpu.memref_slice %arg5[%dma_wait3A_33, %dma_wait3A_34] : memref<8x128xi32, #tpu.memory_space<vmem>> -> memref<1x128xi32, #tpu.memory_space<vmem>>
    %dma_wait3A_36 = tpu.memref_squeeze %dma_wait3A_35 : memref<1x128xi32, #tpu.memory_space<vmem>> -> memref<128xi32, #tpu.memory_space<vmem>>
    %dma_wait3A_37 = arith.constant 0 : i32
    %dma_wait3A_38 = arith.constant 0 : i32
    %dma_wait3A_39 = tpu.memref_slice %arg2[%dma_wait3A_37, %dma_wait3A_38] : memref<4096x128xf32, #tpu.memory_space<hbm>> -> memref<4096x128xf32, #tpu.memory_space<hbm>>
    tpu.wait_indirect_dma semaphore(%arg9 : memref<!tpu.dma_semaphore, #tpu.memory_space<semaphore_mem>>) src(%dma_wait3A_39 : memref<4096x128xf32, #tpu.memory_space<hbm>>) dst(%arg7 : memref<128x128xf32, #tpu.memory_space<vmem>>)
    %add3A_40 = arith.constant 128 : i32
    %add3A_41 = arith.addi %mul3A_2, %add3A_40 : i32
    "tpu.region"() ({
      %run_scoped3A = tpu.sem_alloc : memref<!tpu.dma_semaphore, #tpu.memory_space<semaphore_mem>>
      %dma_start3A_115 = arith.constant 0 : i32
      %dma_start3A_116 = tpu.memref_slice %arg4[%add3A_41, %dma_start3A_115] : memref<28672x128xf32, #tpu.memory_space<hbm>> -> memref<128x128xf32, #tpu.memory_space<hbm>>
      %dma_start3A_117 = arith.constant 0 : i32
      %dma_start3A_118 = tpu.memref_slice %arg4[%add3A_41, %dma_start3A_117] : memref<28672x128xf32, #tpu.memory_space<hbm>> -> memref<128x128xf32, #tpu.memory_space<hbm>>
      tpu.enqueue_dma source(%arg7 : memref<128x128xf32, #tpu.memory_space<vmem>>) target(%dma_start3A_118 : memref<128x128xf32, #tpu.memory_space<hbm>>) target_semaphore(%run_scoped3A : memref<!tpu.dma_semaphore, #tpu.memory_space<semaphore_mem>>)
      %dma_wait3A_119 = arith.constant 0 : i32
      %dma_wait3A_120 = tpu.memref_slice %arg4[%add3A_41, %dma_wait3A_119] : memref<28672x128xf32, #tpu.memory_space<hbm>> -> memref<128x128xf32, #tpu.memory_space<hbm>>
      %dma_wait3A_121 = arith.constant 0 : i32
      %dma_wait3A_122 = tpu.memref_slice %arg4[%add3A_41, %dma_wait3A_121] : memref<28672x128xf32, #tpu.memory_space<hbm>> -> memref<128x128xf32, #tpu.memory_space<hbm>>
      tpu.wait_dma2 semaphore(%run_scoped3A : memref<!tpu.dma_semaphore, #tpu.memory_space<semaphore_mem>>) src(%arg7 : memref<128x128xf32, #tpu.memory_space<vmem>>) dst(%dma_wait3A_122 : memref<128x128xf32, #tpu.memory_space<hbm>>)
      tpu.yield
    }) : () -> ()
    %dma_start3A_42 = arith.constant 3 : i32
    %dma_start3A_43 = arith.constant 0 : i32
    %dma_start3A_44 = tpu.memref_slice %arg5[%dma_start3A_42, %dma_start3A_43] : memref<8x128xi32, #tpu.memory_space<vmem>> -> memref<1x128xi32, #tpu.memory_space<vmem>>
    %dma_start3A_45 = tpu.memref_squeeze %dma_start3A_44 : memref<1x128xi32, #tpu.memory_space<vmem>> -> memref<128xi32, #tpu.memory_space<vmem>>
    %dma_start3A_46 = arith.constant 0 : i32
    %dma_start3A_47 = arith.constant 0 : i32
    %dma_start3A_48 = tpu.memref_slice %arg2[%dma_start3A_46, %dma_start3A_47] : memref<4096x128xf32, #tpu.memory_space<hbm>> -> memref<4096x128xf32, #tpu.memory_space<hbm>>
    tpu.enqueue_indirect_dma source(%dma_start3A_48 : memref<4096x128xf32, #tpu.memory_space<hbm>>) target(%arg7 : memref<128x128xf32, #tpu.memory_space<vmem>>) offsets(%dma_start3A_45 : memref<128xi32, #tpu.memory_space<vmem>>) semaphore(%arg9 : memref<!tpu.dma_semaphore, #tpu.memory_space<semaphore_mem>>)
    %dma_wait3A_49 = arith.constant 2 : i32
    %dma_wait3A_50 = arith.constant 0 : i32
    %dma_wait3A_51 = tpu.memref_slice %arg5[%dma_wait3A_49, %dma_wait3A_50] : memref<8x128xi32, #tpu.memory_space<vmem>> -> memref<1x128xi32, #tpu.memory_space<vmem>>
    %dma_wait3A_52 = tpu.memref_squeeze %dma_wait3A_51 : memref<1x128xi32, #tpu.memory_space<vmem>> -> memref<128xi32, #tpu.memory_space<vmem>>
    %dma_wait3A_53 = arith.constant 0 : i32
    %dma_wait3A_54 = arith.constant 0 : i32
    %dma_wait3A_55 = tpu.memref_slice %arg2[%dma_wait3A_53, %dma_wait3A_54] : memref<4096x128xf32, #tpu.memory_space<hbm>> -> memref<4096x128xf32, #tpu.memory_space<hbm>>
    tpu.wait_indirect_dma semaphore(%arg8 : memref<!tpu.dma_semaphore, #tpu.memory_space<semaphore_mem>>) src(%dma_wait3A_55 : memref<4096x128xf32, #tpu.memory_space<hbm>>) dst(%arg6 : memref<128x128xf32, #tpu.memory_space<vmem>>)
    %add3A_56 = arith.constant 256 : i32
    %add3A_57 = arith.addi %mul3A_2, %add3A_56 : i32
    "tpu.region"() ({
      %run_scoped3A = tpu.sem_alloc : memref<!tpu.dma_semaphore, #tpu.memory_space<semaphore_mem>>
      %dma_start3A_115 = arith.constant 0 : i32
      %dma_start3A_116 = tpu.memref_slice %arg4[%add3A_57, %dma_start3A_115] : memref<28672x128xf32, #tpu.memory_space<hbm>> -> memref<128x128xf32, #tpu.memory_space<hbm>>
      %dma_start3A_117 = arith.constant 0 : i32
      %dma_start3A_118 = tpu.memref_slice %arg4[%add3A_57, %dma_start3A_117] : memref<28672x128xf32, #tpu.memory_space<hbm>> -> memref<128x128xf32, #tpu.memory_space<hbm>>
      tpu.enqueue_dma source(%arg6 : memref<128x128xf32, #tpu.memory_space<vmem>>) target(%dma_start3A_118 : memref<128x128xf32, #tpu.memory_space<hbm>>) target_semaphore(%run_scoped3A : memref<!tpu.dma_semaphore, #tpu.memory_space<semaphore_mem>>)
      %dma_wait3A_119 = arith.constant 0 : i32
      %dma_wait3A_120 = tpu.memref_slice %arg4[%add3A_57, %dma_wait3A_119] : memref<28672x128xf32, #tpu.memory_space<hbm>> -> memref<128x128xf32, #tpu.memory_space<hbm>>
      %dma_wait3A_121 = arith.constant 0 : i32
      %dma_wait3A_122 = tpu.memref_slice %arg4[%add3A_57, %dma_wait3A_121] : memref<28672x128xf32, #tpu.memory_space<hbm>> -> memref<128x128xf32, #tpu.memory_space<hbm>>
      tpu.wait_dma2 semaphore(%run_scoped3A : memref<!tpu.dma_semaphore, #tpu.memory_space<semaphore_mem>>) src(%arg6 : memref<128x128xf32, #tpu.memory_space<vmem>>) dst(%dma_wait3A_122 : memref<128x128xf32, #tpu.memory_space<hbm>>)
      tpu.yield
    }) : () -> ()
    %dma_start3A_58 = arith.constant 4 : i32
    %dma_start3A_59 = arith.constant 0 : i32
    %dma_start3A_60 = tpu.memref_slice %arg5[%dma_start3A_58, %dma_start3A_59] : memref<8x128xi32, #tpu.memory_space<vmem>> -> memref<1x128xi32, #tpu.memory_space<vmem>>
    %dma_start3A_61 = tpu.memref_squeeze %dma_start3A_60 : memref<1x128xi32, #tpu.memory_space<vmem>> -> memref<128xi32, #tpu.memory_space<vmem>>
    %dma_start3A_62 = arith.constant 0 : i32
    %dma_start3A_63 = arith.constant 0 : i32
    %dma_start3A_64 = tpu.memref_slice %arg2[%dma_start3A_62, %dma_start3A_63] : memref<4096x128xf32, #tpu.memory_space<hbm>> -> memref<4096x128xf32, #tpu.memory_space<hbm>>
    tpu.enqueue_indirect_dma source(%dma_start3A_64 : memref<4096x128xf32, #tpu.memory_space<hbm>>) target(%arg6 : memref<128x128xf32, #tpu.memory_space<vmem>>) offsets(%dma_start3A_61 : memref<128xi32, #tpu.memory_space<vmem>>) semaphore(%arg8 : memref<!tpu.dma_semaphore, #tpu.memory_space<semaphore_mem>>)
    %dma_wait3A_65 = arith.constant 3 : i32
    %dma_wait3A_66 = arith.constant 0 : i32
    %dma_wait3A_67 = tpu.memref_slice %arg5[%dma_wait3A_65, %dma_wait3A_66] : memref<8x128xi32, #tpu.memory_space<vmem>> -> memref<1x128xi32, #tpu.memory_space<vmem>>
    %dma_wait3A_68 = tpu.memref_squeeze %dma_wait3A_67 : memref<1x128xi32, #tpu.memory_space<vmem>> -> memref<128xi32, #tpu.memory_space<vmem>>
    %dma_wait3A_69 = arith.constant 0 : i32
    %dma_wait3A_70 = arith.constant 0 : i32
    %dma_wait3A_71 = tpu.memref_slice %arg2[%dma_wait3A_69, %dma_wait3A_70] : memref<4096x128xf32, #tpu.memory_space<hbm>> -> memref<4096x128xf32, #tpu.memory_space<hbm>>
    tpu.wait_indirect_dma semaphore(%arg9 : memref<!tpu.dma_semaphore, #tpu.memory_space<semaphore_mem>>) src(%dma_wait3A_71 : memref<4096x128xf32, #tpu.memory_space<hbm>>) dst(%arg7 : memref<128x128xf32, #tpu.memory_space<vmem>>)
    %add3A_72 = arith.constant 384 : i32
    %add3A_73 = arith.addi %mul3A_2, %add3A_72 : i32
    "tpu.region"() ({
      %run_scoped3A = tpu.sem_alloc : memref<!tpu.dma_semaphore, #tpu.memory_space<semaphore_mem>>
      %dma_start3A_115 = arith.constant 0 : i32
      %dma_start3A_116 = tpu.memref_slice %arg4[%add3A_73, %dma_start3A_115] : memref<28672x128xf32, #tpu.memory_space<hbm>> -> memref<128x128xf32, #tpu.memory_space<hbm>>
      %dma_start3A_117 = arith.constant 0 : i32
      %dma_start3A_118 = tpu.memref_slice %arg4[%add3A_73, %dma_start3A_117] : memref<28672x128xf32, #tpu.memory_space<hbm>> -> memref<128x128xf32, #tpu.memory_space<hbm>>
      tpu.enqueue_dma source(%arg7 : memref<128x128xf32, #tpu.memory_space<vmem>>) target(%dma_start3A_118 : memref<128x128xf32, #tpu.memory_space<hbm>>) target_semaphore(%run_scoped3A : memref<!tpu.dma_semaphore, #tpu.memory_space<semaphore_mem>>)
      %dma_wait3A_119 = arith.constant 0 : i32
      %dma_wait3A_120 = tpu.memref_slice %arg4[%add3A_73, %dma_wait3A_119] : memref<28672x128xf32, #tpu.memory_space<hbm>> -> memref<128x128xf32, #tpu.memory_space<hbm>>
      %dma_wait3A_121 = arith.constant 0 : i32
      %dma_wait3A_122 = tpu.memref_slice %arg4[%add3A_73, %dma_wait3A_121] : memref<28672x128xf32, #tpu.memory_space<hbm>> -> memref<128x128xf32, #tpu.memory_space<hbm>>
      tpu.wait_dma2 semaphore(%run_scoped3A : memref<!tpu.dma_semaphore, #tpu.memory_space<semaphore_mem>>) src(%arg7 : memref<128x128xf32, #tpu.memory_space<vmem>>) dst(%dma_wait3A_122 : memref<128x128xf32, #tpu.memory_space<hbm>>)
      tpu.yield
    }) : () -> ()
    %dma_start3A_74 = arith.constant 5 : i32
    %dma_start3A_75 = arith.constant 0 : i32
    %dma_start3A_76 = tpu.memref_slice %arg5[%dma_start3A_74, %dma_start3A_75] : memref<8x128xi32, #tpu.memory_space<vmem>> -> memref<1x128xi32, #tpu.memory_space<vmem>>
    %dma_start3A_77 = tpu.memref_squeeze %dma_start3A_76 : memref<1x128xi32, #tpu.memory_space<vmem>> -> memref<128xi32, #tpu.memory_space<vmem>>
    %dma_start3A_78 = arith.constant 0 : i32
    %dma_start3A_79 = arith.constant 0 : i32
    %dma_start3A_80 = tpu.memref_slice %arg2[%dma_start3A_78, %dma_start3A_79] : memref<4096x128xf32, #tpu.memory_space<hbm>> -> memref<4096x128xf32, #tpu.memory_space<hbm>>
    tpu.enqueue_indirect_dma source(%dma_start3A_80 : memref<4096x128xf32, #tpu.memory_space<hbm>>) target(%arg7 : memref<128x128xf32, #tpu.memory_space<vmem>>) offsets(%dma_start3A_77 : memref<128xi32, #tpu.memory_space<vmem>>) semaphore(%arg9 : memref<!tpu.dma_semaphore, #tpu.memory_space<semaphore_mem>>)
    %dma_wait3A_81 = arith.constant 4 : i32
    %dma_wait3A_82 = arith.constant 0 : i32
    %dma_wait3A_83 = tpu.memref_slice %arg5[%dma_wait3A_81, %dma_wait3A_82] : memref<8x128xi32, #tpu.memory_space<vmem>> -> memref<1x128xi32, #tpu.memory_space<vmem>>
    %dma_wait3A_84 = tpu.memref_squeeze %dma_wait3A_83 : memref<1x128xi32, #tpu.memory_space<vmem>> -> memref<128xi32, #tpu.memory_space<vmem>>
    %dma_wait3A_85 = arith.constant 0 : i32
    %dma_wait3A_86 = arith.constant 0 : i32
    %dma_wait3A_87 = tpu.memref_slice %arg2[%dma_wait3A_85, %dma_wait3A_86] : memref<4096x128xf32, #tpu.memory_space<hbm>> -> memref<4096x128xf32, #tpu.memory_space<hbm>>
    tpu.wait_indirect_dma semaphore(%arg8 : memref<!tpu.dma_semaphore, #tpu.memory_space<semaphore_mem>>) src(%dma_wait3A_87 : memref<4096x128xf32, #tpu.memory_space<hbm>>) dst(%arg6 : memref<128x128xf32, #tpu.memory_space<vmem>>)
    %add3A_88 = arith.constant 512 : i32
    %add3A_89 = arith.addi %mul3A_2, %add3A_88 : i32
    "tpu.region"() ({
      %run_scoped3A = tpu.sem_alloc : memref<!tpu.dma_semaphore, #tpu.memory_space<semaphore_mem>>
      %dma_start3A_115 = arith.constant 0 : i32
      %dma_start3A_116 = tpu.memref_slice %arg4[%add3A_89, %dma_start3A_115] : memref<28672x128xf32, #tpu.memory_space<hbm>> -> memref<128x128xf32, #tpu.memory_space<hbm>>
      %dma_start3A_117 = arith.constant 0 : i32
      %dma_start3A_118 = tpu.memref_slice %arg4[%add3A_89, %dma_start3A_117] : memref<28672x128xf32, #tpu.memory_space<hbm>> -> memref<128x128xf32, #tpu.memory_space<hbm>>
      tpu.enqueue_dma source(%arg6 : memref<128x128xf32, #tpu.memory_space<vmem>>) target(%dma_start3A_118 : memref<128x128xf32, #tpu.memory_space<hbm>>) target_semaphore(%run_scoped3A : memref<!tpu.dma_semaphore, #tpu.memory_space<semaphore_mem>>)
      %dma_wait3A_119 = arith.constant 0 : i32
      %dma_wait3A_120 = tpu.memref_slice %arg4[%add3A_89, %dma_wait3A_119] : memref<28672x128xf32, #tpu.memory_space<hbm>> -> memref<128x128xf32, #tpu.memory_space<hbm>>
      %dma_wait3A_121 = arith.constant 0 : i32
      %dma_wait3A_122 = tpu.memref_slice %arg4[%add3A_89, %dma_wait3A_121] : memref<28672x128xf32, #tpu.memory_space<hbm>> -> memref<128x128xf32, #tpu.memory_space<hbm>>
      tpu.wait_dma2 semaphore(%run_scoped3A : memref<!tpu.dma_semaphore, #tpu.memory_space<semaphore_mem>>) src(%arg6 : memref<128x128xf32, #tpu.memory_space<vmem>>) dst(%dma_wait3A_122 : memref<128x128xf32, #tpu.memory_space<hbm>>)
      tpu.yield
    }) : () -> ()
    %dma_start3A_90 = arith.constant 6 : i32
    %dma_start3A_91 = arith.constant 0 : i32
    %dma_start3A_92 = tpu.memref_slice %arg5[%dma_start3A_90, %dma_start3A_91] : memref<8x128xi32, #tpu.memory_space<vmem>> -> memref<1x128xi32, #tpu.memory_space<vmem>>
    %dma_start3A_93 = tpu.memref_squeeze %dma_start3A_92 : memref<1x128xi32, #tpu.memory_space<vmem>> -> memref<128xi32, #tpu.memory_space<vmem>>
    %dma_start3A_94 = arith.constant 0 : i32
    %dma_start3A_95 = arith.constant 0 : i32
    %dma_start3A_96 = tpu.memref_slice %arg2[%dma_start3A_94, %dma_start3A_95] : memref<4096x128xf32, #tpu.memory_space<hbm>> -> memref<4096x128xf32, #tpu.memory_space<hbm>>
    tpu.enqueue_indirect_dma source(%dma_start3A_96 : memref<4096x128xf32, #tpu.memory_space<hbm>>) target(%arg6 : memref<128x128xf32, #tpu.memory_space<vmem>>) offsets(%dma_start3A_93 : memref<128xi32, #tpu.memory_space<vmem>>) semaphore(%arg8 : memref<!tpu.dma_semaphore, #tpu.memory_space<semaphore_mem>>)
    %dma_wait3A_97 = arith.constant 5 : i32
    %dma_wait3A_98 = arith.constant 0 : i32
    %dma_wait3A_99 = tpu.memref_slice %arg5[%dma_wait3A_97, %dma_wait3A_98] : memref<8x128xi32, #tpu.memory_space<vmem>> -> memref<1x128xi32, #tpu.memory_space<vmem>>
    %dma_wait3A_100 = tpu.memref_squeeze %dma_wait3A_99 : memref<1x128xi32, #tpu.memory_space<vmem>> -> memref<128xi32, #tpu.memory_space<vmem>>
    %dma_wait3A_101 = arith.constant 0 : i32
    %dma_wait3A_102 = arith.constant 0 : i32
    %dma_wait3A_103 = tpu.memref_slice %arg2[%dma_wait3A_101, %dma_wait3A_102] : memref<4096x128xf32, #tpu.memory_space<hbm>> -> memref<4096x128xf32, #tpu.memory_space<hbm>>
    tpu.wait_indirect_dma semaphore(%arg9 : memref<!tpu.dma_semaphore, #tpu.memory_space<semaphore_mem>>) src(%dma_wait3A_103 : memref<4096x128xf32, #tpu.memory_space<hbm>>) dst(%arg7 : memref<128x128xf32, #tpu.memory_space<vmem>>)
    %add3A_104 = arith.constant 640 : i32
    %add3A_105 = arith.addi %mul3A_2, %add3A_104 : i32
    "tpu.region"() ({
      %run_scoped3A = tpu.sem_alloc : memref<!tpu.dma_semaphore, #tpu.memory_space<semaphore_mem>>
      %dma_start3A_115 = arith.constant 0 : i32
      %dma_start3A_116 = tpu.memref_slice %arg4[%add3A_105, %dma_start3A_115] : memref<28672x128xf32, #tpu.memory_space<hbm>> -> memref<128x128xf32, #tpu.memory_space<hbm>>
      %dma_start3A_117 = arith.constant 0 : i32
      %dma_start3A_118 = tpu.memref_slice %arg4[%add3A_105, %dma_start3A_117] : memref<28672x128xf32, #tpu.memory_space<hbm>> -> memref<128x128xf32, #tpu.memory_space<hbm>>
      tpu.enqueue_dma source(%arg7 : memref<128x128xf32, #tpu.memory_space<vmem>>) target(%dma_start3A_118 : memref<128x128xf32, #tpu.memory_space<hbm>>) target_semaphore(%run_scoped3A : memref<!tpu.dma_semaphore, #tpu.memory_space<semaphore_mem>>)
      %dma_wait3A_119 = arith.constant 0 : i32
      %dma_wait3A_120 = tpu.memref_slice %arg4[%add3A_105, %dma_wait3A_119] : memref<28672x128xf32, #tpu.memory_space<hbm>> -> memref<128x128xf32, #tpu.memory_space<hbm>>
      %dma_wait3A_121 = arith.constant 0 : i32
      %dma_wait3A_122 = tpu.memref_slice %arg4[%add3A_105, %dma_wait3A_121] : memref<28672x128xf32, #tpu.memory_space<hbm>> -> memref<128x128xf32, #tpu.memory_space<hbm>>
      tpu.wait_dma2 semaphore(%run_scoped3A : memref<!tpu.dma_semaphore, #tpu.memory_space<semaphore_mem>>) src(%arg7 : memref<128x128xf32, #tpu.memory_space<vmem>>) dst(%dma_wait3A_122 : memref<128x128xf32, #tpu.memory_space<hbm>>)
      tpu.yield
    }) : () -> ()
    %dma_wait3A_106 = arith.constant 6 : i32
    %dma_wait3A_107 = arith.constant 0 : i32
    %dma_wait3A_108 = tpu.memref_slice %arg5[%dma_wait3A_106, %dma_wait3A_107] : memref<8x128xi32, #tpu.memory_space<vmem>> -> memref<1x128xi32, #tpu.memory_space<vmem>>
    %dma_wait3A_109 = tpu.memref_squeeze %dma_wait3A_108 : memref<1x128xi32, #tpu.memory_space<vmem>> -> memref<128xi32, #tpu.memory_space<vmem>>
    %dma_wait3A_110 = arith.constant 0 : i32
    %dma_wait3A_111 = arith.constant 0 : i32
    %dma_wait3A_112 = tpu.memref_slice %arg2[%dma_wait3A_110, %dma_wait3A_111] : memref<4096x128xf32, #tpu.memory_space<hbm>> -> memref<4096x128xf32, #tpu.memory_space<hbm>>
    tpu.wait_indirect_dma semaphore(%arg8 : memref<!tpu.dma_semaphore, #tpu.memory_space<semaphore_mem>>) src(%dma_wait3A_112 : memref<4096x128xf32, #tpu.memory_space<hbm>>) dst(%arg6 : memref<128x128xf32, #tpu.memory_space<vmem>>)
    %add3A_113 = arith.constant 768 : i32
    %add3A_114 = arith.addi %mul3A_2, %add3A_113 : i32
    "tpu.region"() ({
      %run_scoped3A = tpu.sem_alloc : memref<!tpu.dma_semaphore, #tpu.memory_space<semaphore_mem>>
      %dma_start3A_115 = arith.constant 0 : i32
      %dma_start3A_116 = tpu.memref_slice %arg4[%add3A_114, %dma_start3A_115] : memref<28672x128xf32, #tpu.memory_space<hbm>> -> memref<128x128xf32, #tpu.memory_space<hbm>>
      %dma_start3A_117 = arith.constant 0 : i32
      %dma_start3A_118 = tpu.memref_slice %arg4[%add3A_114, %dma_start3A_117] : memref<28672x128xf32, #tpu.memory_space<hbm>> -> memref<128x128xf32, #tpu.memory_space<hbm>>
      tpu.enqueue_dma source(%arg6 : memref<128x128xf32, #tpu.memory_space<vmem>>) target(%dma_start3A_118 : memref<128x128xf32, #tpu.memory_space<hbm>>) target_semaphore(%run_scoped3A : memref<!tpu.dma_semaphore, #tpu.memory_space<semaphore_mem>>)
      %dma_wait3A_119 = arith.constant 0 : i32
      %dma_wait3A_120 = tpu.memref_slice %arg4[%add3A_114, %dma_wait3A_119] : memref<28672x128xf32, #tpu.memory_space<hbm>> -> memref<128x128xf32, #tpu.memory_space<hbm>>
      %dma_wait3A_121 = arith.constant 0 : i32
      %dma_wait3A_122 = tpu.memref_slice %arg4[%add3A_114, %dma_wait3A_121] : memref<28672x128xf32, #tpu.memory_space<hbm>> -> memref<128x128xf32, #tpu.memory_space<hbm>>
      tpu.wait_dma2 semaphore(%run_scoped3A : memref<!tpu.dma_semaphore, #tpu.memory_space<semaphore_mem>>) src(%arg6 : memref<128x128xf32, #tpu.memory_space<vmem>>) dst(%dma_wait3A_122 : memref<128x128xf32, #tpu.memory_space<hbm>>)
      tpu.yield
    }) : () -> ()
    return
  }
}

module attributes {stable_mosaic.version = 14 : i64} {
  func.func @_score_topk_kernel(%arg0: i32, %arg1: i32, %arg2: memref<1x96x4096xf32, #tpu.memory_space<vmem>>, %arg3: memref<1x8x256xf32, #tpu.memory_space<vmem>>, %arg4: memref<1x8x256xf32, #tpu.memory_space<vmem>>, %arg5: memref<96x4096xf32, #tpu.memory_space<vmem>>) attributes {dimension_semantics = [#tpu.dimension_semantics<arbitrary>, #tpu.dimension_semantics<arbitrary>], iteration_bounds = array<i64: 1, 16>, scalar_prefetch = 0 : i64, scratch_operands = 1 : i64, tpu.core_type = #tpu.core_type<tc>, window_params = [{transform_indices = @transform_0, window_bounds = array<i64: 1, 96, 4096>}, {transform_indices = @transform_1, window_bounds = array<i64: 1, 8, 256>}, {transform_indices = @transform_2, window_bounds = array<i64: 1, 8, 256>}]} {
    %eq3A = arith.constant 0 : i32
    %eq3A_0 = arith.cmpi eq, %arg1, %eq3A : i32
    %convert_element_type3A = arith.extui %eq3A_0 : i1 to i32
    %cond3A = arith.constant 0 : i32
    %cond3A_1 = arith.cmpi ne, %convert_element_type3A, %cond3A : i32
    scf.if %cond3A_1 {
      %get3A_210 = arith.constant 0 : index
      %get3A_211 = arith.constant 0 : index
      %get3A_212 = arith.constant 0 : index
      %get3A_213 = vector.load %arg2[%get3A_210, %get3A_211, %get3A_212] : memref<1x96x4096xf32, #tpu.memory_space<vmem>>, vector<1x96x4096xf32>
      %get3A_214 = vector.shape_cast %get3A_213 : vector<1x96x4096xf32> to vector<96x4096xf32>
      %mul3A_215 = arith.mulf %get3A_214, %get3A_214 : vector<96x4096xf32>
      %reduce_sum3A = arith.constant dense<0.000000e+00> : vector<4096xf32>
      %reduce_sum3A_216 = vector.multi_reduction <add>, %mul3A_215, %reduce_sum3A [0] : vector<96x4096xf32> to vector<4096xf32>
      %broadcast_in_dim3A_217 = vector.shape_cast %reduce_sum3A_216 : vector<4096xf32> to vector<1x4096xf32>
      %sqrt3A = math.sqrt %broadcast_in_dim3A_217 : vector<1x4096xf32>
      %div3A = vector.broadcast %sqrt3A : vector<1x4096xf32> to vector<96x4096xf32>
      %div3A_218 = arith.divf %get3A_214, %div3A : vector<96x4096xf32>
      %swap3A_219 = arith.constant 0 : index
      %swap3A_220 = arith.constant 0 : index
      %swap3A_221 = vector.load %arg5[%swap3A_219, %swap3A_220] : memref<96x4096xf32, #tpu.memory_space<vmem>>, vector<96x4096xf32>
      tpu.vector_store %arg5[%swap3A_219, %swap3A_220], %div3A_218 {strides = array<i32>} : memref<96x4096xf32, #tpu.memory_space<vmem>>, vector<96x4096xf32>,
    } else {
    }
    %get3A = arith.constant 0 : index
    %get3A_2 = arith.constant 0 : index
    %get3A_3 = vector.load %arg5[%get3A, %get3A_2] : memref<96x4096xf32, #tpu.memory_space<vmem>>, vector<96x4096xf32>
    %mul3A = arith.constant 256 : i32
    %mul3A_4 = arith.muli %arg1, %mul3A : i32
    %get3A_5 = arith.constant 0 : index
    %get3A_6 = arith.index_cast %mul3A_4 : i32 to index
    %get3A_7 = vector.load %arg5[%get3A_5, %get3A_6] : memref<96x4096xf32, #tpu.memory_space<vmem>>, vector<96x256xf32>
    %dot_general3A = arith.constant dense<0.000000e+00> : vector<256x4096xf32>
    %dot_general3A_8 = tpu.matmul %get3A_7, %get3A_3, %dot_general3A {dimension_numbers = #tpu.dot_dimension_numbers<[0], [0], [1], [1], [0, 1, 1, 1], [], []>, transpose_lhs_hint = false} : vector<96x256xf32>, vector<96x4096xf32>, vector<256x4096xf32> -> vector<256x4096xf32>
    %iota3A = tpu.iota {dimensions = array<i32: 1>} : vector<256x4096xi32>
    %convert_element_type3A_9 = arith.sitofp %iota3A : vector<256x4096xi32> to vector<256x4096xf32>
    %reduce_max3A = arith.constant dense<0xFF800000> : vector<256xf32>
    %reduce_max3A_10 = vector.multi_reduction <maximumf>, %dot_general3A_8, %reduce_max3A [1] : vector<256x4096xf32> to vector<256xf32>
    %broadcast_in_dim3A = vector.shape_cast %reduce_max3A_10 : vector<256xf32> to vector<256x1xf32>
    %eq3A_11 = vector.broadcast %broadcast_in_dim3A : vector<256x1xf32> to vector<256x4096xf32>
    %eq3A_12 = arith.cmpf oeq, %dot_general3A_8, %eq3A_11 : vector<256x4096xf32>
    %jit3A = arith.constant 1.07374182E+9 : f32
    %broadcast_in_dim3A_13 = vector.broadcast %jit3A : f32 to vector<256x4096xf32>
    %select_n3A = arith.select %eq3A_12, %convert_element_type3A_9, %broadcast_in_dim3A_13 : vector<256x4096xi1>, vector<256x4096xf32>
    %reduce_min3A = arith.constant dense<0x7F800000> : vector<256xf32>
    %reduce_min3A_14 = vector.multi_reduction <minimumf>, %select_n3A, %reduce_min3A [1] : vector<256x4096xf32> to vector<256xf32>
    %swap3A = arith.constant 0 : index
    %swap3A_15 = arith.constant 0 : index
    %swap3A_16 = arith.constant 0 : index
    %swap3A_17 = vector.load %arg3[%swap3A, %swap3A_15, %swap3A_16] : memref<1x8x256xf32, #tpu.memory_space<vmem>>, vector<1x1x256xf32>
    %swap3A_18 = vector.shape_cast %swap3A_17 : vector<1x1x256xf32> to vector<256xf32>
    %swap3A_19 = vector.shape_cast %reduce_max3A_10 : vector<256xf32> to vector<1x1x256xf32>
    tpu.vector_store %arg3[%swap3A, %swap3A_15, %swap3A_16], %swap3A_19 {strides = array<i32>} : memref<1x8x256xf32, #tpu.memory_space<vmem>>, vector<1x1x256xf32>,
    %swap3A_20 = arith.constant 0 : index
    %swap3A_21 = arith.constant 0 : index
    %swap3A_22 = arith.constant 0 : index
    %swap3A_23 = vector.load %arg4[%swap3A_20, %swap3A_21, %swap3A_22] : memref<1x8x256xf32, #tpu.memory_space<vmem>>, vector<1x1x256xf32>
    %swap3A_24 = vector.shape_cast %swap3A_23 : vector<1x1x256xf32> to vector<256xf32>
    %swap3A_25 = vector.shape_cast %reduce_min3A_14 : vector<256xf32> to vector<1x1x256xf32>
    tpu.vector_store %arg4[%swap3A_20, %swap3A_21, %swap3A_22], %swap3A_25 {strides = array<i32>} : memref<1x8x256xf32, #tpu.memory_space<vmem>>, vector<1x1x256xf32>,
    %broadcast_in_dim3A_26 = vector.shape_cast %reduce_min3A_14 : vector<256xf32> to vector<256x1xf32>
    %eq3A_27 = vector.broadcast %broadcast_in_dim3A_26 : vector<256x1xf32> to vector<256x4096xf32>
    %eq3A_28 = arith.cmpf oeq, %convert_element_type3A_9, %eq3A_27 : vector<256x4096xf32>
    %jit3A_29 = arith.constant -3.40282347E+38 : f32
    %broadcast_in_dim3A_30 = vector.broadcast %jit3A_29 : f32 to vector<256x4096xf32>
    %select_n3A_31 = arith.select %eq3A_28, %broadcast_in_dim3A_30, %dot_general3A_8 : vector<256x4096xi1>, vector<256x4096xf32>
    %reduce_max3A_32 = arith.constant dense<0xFF800000> : vector<256xf32>
    %reduce_max3A_33 = vector.multi_reduction <maximumf>, %select_n3A_31, %reduce_max3A_32 [1] : vector<256x4096xf32> to vector<256xf32>
    %broadcast_in_dim3A_34 = vector.shape_cast %reduce_max3A_33 : vector<256xf32> to vector<256x1xf32>
    %eq3A_35 = vector.broadcast %broadcast_in_dim3A_34 : vector<256x1xf32> to vector<256x4096xf32>
    %eq3A_36 = arith.cmpf oeq, %select_n3A_31, %eq3A_35 : vector<256x4096xf32>
    %jit3A_37 = arith.constant 1.07374182E+9 : f32
    %broadcast_in_dim3A_38 = vector.broadcast %jit3A_37 : f32 to vector<256x4096xf32>
    %select_n3A_39 = arith.select %eq3A_36, %convert_element_type3A_9, %broadcast_in_dim3A_38 : vector<256x4096xi1>, vector<256x4096xf32>
    %reduce_min3A_40 = arith.constant dense<0x7F800000> : vector<256xf32>
    %reduce_min3A_41 = vector.multi_reduction <minimumf>, %select_n3A_39, %reduce_min3A_40 [1] : vector<256x4096xf32> to vector<256xf32>
    %swap3A_42 = arith.constant 0 : index
    %swap3A_43 = arith.constant 1 : index
    %swap3A_44 = arith.constant 0 : index
    %swap3A_45 = vector.load %arg3[%swap3A_42, %swap3A_43, %swap3A_44] : memref<1x8x256xf32, #tpu.memory_space<vmem>>, vector<1x1x256xf32>
    %swap3A_46 = vector.shape_cast %swap3A_45 : vector<1x1x256xf32> to vector<256xf32>
    %swap3A_47 = vector.shape_cast %reduce_max3A_33 : vector<256xf32> to vector<1x1x256xf32>
    tpu.vector_store %arg3[%swap3A_42, %swap3A_43, %swap3A_44], %swap3A_47 {strides = array<i32>} : memref<1x8x256xf32, #tpu.memory_space<vmem>>, vector<1x1x256xf32>,
    %swap3A_48 = arith.constant 0 : index
    %swap3A_49 = arith.constant 1 : index
    %swap3A_50 = arith.constant 0 : index
    %swap3A_51 = vector.load %arg4[%swap3A_48, %swap3A_49, %swap3A_50] : memref<1x8x256xf32, #tpu.memory_space<vmem>>, vector<1x1x256xf32>
    %swap3A_52 = vector.shape_cast %swap3A_51 : vector<1x1x256xf32> to vector<256xf32>
    %swap3A_53 = vector.shape_cast %reduce_min3A_41 : vector<256xf32> to vector<1x1x256xf32>
    tpu.vector_store %arg4[%swap3A_48, %swap3A_49, %swap3A_50], %swap3A_53 {strides = array<i32>} : memref<1x8x256xf32, #tpu.memory_space<vmem>>, vector<1x1x256xf32>,
    %broadcast_in_dim3A_54 = vector.shape_cast %reduce_min3A_41 : vector<256xf32> to vector<256x1xf32>
    %eq3A_55 = vector.broadcast %broadcast_in_dim3A_54 : vector<256x1xf32> to vector<256x4096xf32>
    %eq3A_56 = arith.cmpf oeq, %convert_element_type3A_9, %eq3A_55 : vector<256x4096xf32>
    %jit3A_57 = arith.constant -3.40282347E+38 : f32
    %broadcast_in_dim3A_58 = vector.broadcast %jit3A_57 : f32 to vector<256x4096xf32>
    %select_n3A_59 = arith.select %eq3A_56, %broadcast_in_dim3A_58, %select_n3A_31 : vector<256x4096xi1>, vector<256x4096xf32>
    %reduce_max3A_60 = arith.constant dense<0xFF800000> : vector<256xf32>
    %reduce_max3A_61 = vector.multi_reduction <maximumf>, %select_n3A_59, %reduce_max3A_60 [1] : vector<256x4096xf32> to vector<256xf32>
    %broadcast_in_dim3A_62 = vector.shape_cast %reduce_max3A_61 : vector<256xf32> to vector<256x1xf32>
    %eq3A_63 = vector.broadcast %broadcast_in_dim3A_62 : vector<256x1xf32> to vector<256x4096xf32>
    %eq3A_64 = arith.cmpf oeq, %select_n3A_59, %eq3A_63 : vector<256x4096xf32>
    %jit3A_65 = arith.constant 1.07374182E+9 : f32
    %broadcast_in_dim3A_66 = vector.broadcast %jit3A_65 : f32 to vector<256x4096xf32>
    %select_n3A_67 = arith.select %eq3A_64, %convert_element_type3A_9, %broadcast_in_dim3A_66 : vector<256x4096xi1>, vector<256x4096xf32>
    %reduce_min3A_68 = arith.constant dense<0x7F800000> : vector<256xf32>
    %reduce_min3A_69 = vector.multi_reduction <minimumf>, %select_n3A_67, %reduce_min3A_68 [1] : vector<256x4096xf32> to vector<256xf32>
    %swap3A_70 = arith.constant 0 : index
    %swap3A_71 = arith.constant 2 : index
    %swap3A_72 = arith.constant 0 : index
    %swap3A_73 = vector.load %arg3[%swap3A_70, %swap3A_71, %swap3A_72] : memref<1x8x256xf32, #tpu.memory_space<vmem>>, vector<1x1x256xf32>
    %swap3A_74 = vector.shape_cast %swap3A_73 : vector<1x1x256xf32> to vector<256xf32>
    %swap3A_75 = vector.shape_cast %reduce_max3A_61 : vector<256xf32> to vector<1x1x256xf32>
    tpu.vector_store %arg3[%swap3A_70, %swap3A_71, %swap3A_72], %swap3A_75 {strides = array<i32>} : memref<1x8x256xf32, #tpu.memory_space<vmem>>, vector<1x1x256xf32>,
    %swap3A_76 = arith.constant 0 : index
    %swap3A_77 = arith.constant 2 : index
    %swap3A_78 = arith.constant 0 : index
    %swap3A_79 = vector.load %arg4[%swap3A_76, %swap3A_77, %swap3A_78] : memref<1x8x256xf32, #tpu.memory_space<vmem>>, vector<1x1x256xf32>
    %swap3A_80 = vector.shape_cast %swap3A_79 : vector<1x1x256xf32> to vector<256xf32>
    %swap3A_81 = vector.shape_cast %reduce_min3A_69 : vector<256xf32> to vector<1x1x256xf32>
    tpu.vector_store %arg4[%swap3A_76, %swap3A_77, %swap3A_78], %swap3A_81 {strides = array<i32>} : memref<1x8x256xf32, #tpu.memory_space<vmem>>, vector<1x1x256xf32>,
    %broadcast_in_dim3A_82 = vector.shape_cast %reduce_min3A_69 : vector<256xf32> to vector<256x1xf32>
    %eq3A_83 = vector.broadcast %broadcast_in_dim3A_82 : vector<256x1xf32> to vector<256x4096xf32>
    %eq3A_84 = arith.cmpf oeq, %convert_element_type3A_9, %eq3A_83 : vector<256x4096xf32>
    %jit3A_85 = arith.constant -3.40282347E+38 : f32
    %broadcast_in_dim3A_86 = vector.broadcast %jit3A_85 : f32 to vector<256x4096xf32>
    %select_n3A_87 = arith.select %eq3A_84, %broadcast_in_dim3A_86, %select_n3A_59 : vector<256x4096xi1>, vector<256x4096xf32>
    %reduce_max3A_88 = arith.constant dense<0xFF800000> : vector<256xf32>
    %reduce_max3A_89 = vector.multi_reduction <maximumf>, %select_n3A_87, %reduce_max3A_88 [1] : vector<256x4096xf32> to vector<256xf32>
    %broadcast_in_dim3A_90 = vector.shape_cast %reduce_max3A_89 : vector<256xf32> to vector<256x1xf32>
    %eq3A_91 = vector.broadcast %broadcast_in_dim3A_90 : vector<256x1xf32> to vector<256x4096xf32>
    %eq3A_92 = arith.cmpf oeq, %select_n3A_87, %eq3A_91 : vector<256x4096xf32>
    %jit3A_93 = arith.constant 1.07374182E+9 : f32
    %broadcast_in_dim3A_94 = vector.broadcast %jit3A_93 : f32 to vector<256x4096xf32>
    %select_n3A_95 = arith.select %eq3A_92, %convert_element_type3A_9, %broadcast_in_dim3A_94 : vector<256x4096xi1>, vector<256x4096xf32>
    %reduce_min3A_96 = arith.constant dense<0x7F800000> : vector<256xf32>
    %reduce_min3A_97 = vector.multi_reduction <minimumf>, %select_n3A_95, %reduce_min3A_96 [1] : vector<256x4096xf32> to vector<256xf32>
    %swap3A_98 = arith.constant 0 : index
    %swap3A_99 = arith.constant 3 : index
    %swap3A_100 = arith.constant 0 : index
    %swap3A_101 = vector.load %arg3[%swap3A_98, %swap3A_99, %swap3A_100] : memref<1x8x256xf32, #tpu.memory_space<vmem>>, vector<1x1x256xf32>
    %swap3A_102 = vector.shape_cast %swap3A_101 : vector<1x1x256xf32> to vector<256xf32>
    %swap3A_103 = vector.shape_cast %reduce_max3A_89 : vector<256xf32> to vector<1x1x256xf32>
    tpu.vector_store %arg3[%swap3A_98, %swap3A_99, %swap3A_100], %swap3A_103 {strides = array<i32>} : memref<1x8x256xf32, #tpu.memory_space<vmem>>, vector<1x1x256xf32>,
    %swap3A_104 = arith.constant 0 : index
    %swap3A_105 = arith.constant 3 : index
    %swap3A_106 = arith.constant 0 : index
    %swap3A_107 = vector.load %arg4[%swap3A_104, %swap3A_105, %swap3A_106] : memref<1x8x256xf32, #tpu.memory_space<vmem>>, vector<1x1x256xf32>
    %swap3A_108 = vector.shape_cast %swap3A_107 : vector<1x1x256xf32> to vector<256xf32>
    %swap3A_109 = vector.shape_cast %reduce_min3A_97 : vector<256xf32> to vector<1x1x256xf32>
    tpu.vector_store %arg4[%swap3A_104, %swap3A_105, %swap3A_106], %swap3A_109 {strides = array<i32>} : memref<1x8x256xf32, #tpu.memory_space<vmem>>, vector<1x1x256xf32>,
    %broadcast_in_dim3A_110 = vector.shape_cast %reduce_min3A_97 : vector<256xf32> to vector<256x1xf32>
    %eq3A_111 = vector.broadcast %broadcast_in_dim3A_110 : vector<256x1xf32> to vector<256x4096xf32>
    %eq3A_112 = arith.cmpf oeq, %convert_element_type3A_9, %eq3A_111 : vector<256x4096xf32>
    %jit3A_113 = arith.constant -3.40282347E+38 : f32
    %broadcast_in_dim3A_114 = vector.broadcast %jit3A_113 : f32 to vector<256x4096xf32>
    %select_n3A_115 = arith.select %eq3A_112, %broadcast_in_dim3A_114, %select_n3A_87 : vector<256x4096xi1>, vector<256x4096xf32>
    %reduce_max3A_116 = arith.constant dense<0xFF800000> : vector<256xf32>
    %reduce_max3A_117 = vector.multi_reduction <maximumf>, %select_n3A_115, %reduce_max3A_116 [1] : vector<256x4096xf32> to vector<256xf32>
    %broadcast_in_dim3A_118 = vector.shape_cast %reduce_max3A_117 : vector<256xf32> to vector<256x1xf32>
    %eq3A_119 = vector.broadcast %broadcast_in_dim3A_118 : vector<256x1xf32> to vector<256x4096xf32>
    %eq3A_120 = arith.cmpf oeq, %select_n3A_115, %eq3A_119 : vector<256x4096xf32>
    %jit3A_121 = arith.constant 1.07374182E+9 : f32
    %broadcast_in_dim3A_122 = vector.broadcast %jit3A_121 : f32 to vector<256x4096xf32>
    %select_n3A_123 = arith.select %eq3A_120, %convert_element_type3A_9, %broadcast_in_dim3A_122 : vector<256x4096xi1>, vector<256x4096xf32>
    %reduce_min3A_124 = arith.constant dense<0x7F800000> : vector<256xf32>
    %reduce_min3A_125 = vector.multi_reduction <minimumf>, %select_n3A_123, %reduce_min3A_124 [1] : vector<256x4096xf32> to vector<256xf32>
    %swap3A_126 = arith.constant 0 : index
    %swap3A_127 = arith.constant 4 : index
    %swap3A_128 = arith.constant 0 : index
    %swap3A_129 = vector.load %arg3[%swap3A_126, %swap3A_127, %swap3A_128] : memref<1x8x256xf32, #tpu.memory_space<vmem>>, vector<1x1x256xf32>
    %swap3A_130 = vector.shape_cast %swap3A_129 : vector<1x1x256xf32> to vector<256xf32>
    %swap3A_131 = vector.shape_cast %reduce_max3A_117 : vector<256xf32> to vector<1x1x256xf32>
    tpu.vector_store %arg3[%swap3A_126, %swap3A_127, %swap3A_128], %swap3A_131 {strides = array<i32>} : memref<1x8x256xf32, #tpu.memory_space<vmem>>, vector<1x1x256xf32>,
    %swap3A_132 = arith.constant 0 : index
    %swap3A_133 = arith.constant 4 : index
    %swap3A_134 = arith.constant 0 : index
    %swap3A_135 = vector.load %arg4[%swap3A_132, %swap3A_133, %swap3A_134] : memref<1x8x256xf32, #tpu.memory_space<vmem>>, vector<1x1x256xf32>
    %swap3A_136 = vector.shape_cast %swap3A_135 : vector<1x1x256xf32> to vector<256xf32>
    %swap3A_137 = vector.shape_cast %reduce_min3A_125 : vector<256xf32> to vector<1x1x256xf32>
    tpu.vector_store %arg4[%swap3A_132, %swap3A_133, %swap3A_134], %swap3A_137 {strides = array<i32>} : memref<1x8x256xf32, #tpu.memory_space<vmem>>, vector<1x1x256xf32>,
    %broadcast_in_dim3A_138 = vector.shape_cast %reduce_min3A_125 : vector<256xf32> to vector<256x1xf32>
    %eq3A_139 = vector.broadcast %broadcast_in_dim3A_138 : vector<256x1xf32> to vector<256x4096xf32>
    %eq3A_140 = arith.cmpf oeq, %convert_element_type3A_9, %eq3A_139 : vector<256x4096xf32>
    %jit3A_141 = arith.constant -3.40282347E+38 : f32
    %broadcast_in_dim3A_142 = vector.broadcast %jit3A_141 : f32 to vector<256x4096xf32>
    %select_n3A_143 = arith.select %eq3A_140, %broadcast_in_dim3A_142, %select_n3A_115 : vector<256x4096xi1>, vector<256x4096xf32>
    %reduce_max3A_144 = arith.constant dense<0xFF800000> : vector<256xf32>
    %reduce_max3A_145 = vector.multi_reduction <maximumf>, %select_n3A_143, %reduce_max3A_144 [1] : vector<256x4096xf32> to vector<256xf32>
    %broadcast_in_dim3A_146 = vector.shape_cast %reduce_max3A_145 : vector<256xf32> to vector<256x1xf32>
    %eq3A_147 = vector.broadcast %broadcast_in_dim3A_146 : vector<256x1xf32> to vector<256x4096xf32>
    %eq3A_148 = arith.cmpf oeq, %select_n3A_143, %eq3A_147 : vector<256x4096xf32>
    %jit3A_149 = arith.constant 1.07374182E+9 : f32
    %broadcast_in_dim3A_150 = vector.broadcast %jit3A_149 : f32 to vector<256x4096xf32>
    %select_n3A_151 = arith.select %eq3A_148, %convert_element_type3A_9, %broadcast_in_dim3A_150 : vector<256x4096xi1>, vector<256x4096xf32>
    %reduce_min3A_152 = arith.constant dense<0x7F800000> : vector<256xf32>
    %reduce_min3A_153 = vector.multi_reduction <minimumf>, %select_n3A_151, %reduce_min3A_152 [1] : vector<256x4096xf32> to vector<256xf32>
    %swap3A_154 = arith.constant 0 : index
    %swap3A_155 = arith.constant 5 : index
    %swap3A_156 = arith.constant 0 : index
    %swap3A_157 = vector.load %arg3[%swap3A_154, %swap3A_155, %swap3A_156] : memref<1x8x256xf32, #tpu.memory_space<vmem>>, vector<1x1x256xf32>
    %swap3A_158 = vector.shape_cast %swap3A_157 : vector<1x1x256xf32> to vector<256xf32>
    %swap3A_159 = vector.shape_cast %reduce_max3A_145 : vector<256xf32> to vector<1x1x256xf32>
    tpu.vector_store %arg3[%swap3A_154, %swap3A_155, %swap3A_156], %swap3A_159 {strides = array<i32>} : memref<1x8x256xf32, #tpu.memory_space<vmem>>, vector<1x1x256xf32>,
    %swap3A_160 = arith.constant 0 : index
    %swap3A_161 = arith.constant 5 : index
    %swap3A_162 = arith.constant 0 : index
    %swap3A_163 = vector.load %arg4[%swap3A_160, %swap3A_161, %swap3A_162] : memref<1x8x256xf32, #tpu.memory_space<vmem>>, vector<1x1x256xf32>
    %swap3A_164 = vector.shape_cast %swap3A_163 : vector<1x1x256xf32> to vector<256xf32>
    %swap3A_165 = vector.shape_cast %reduce_min3A_153 : vector<256xf32> to vector<1x1x256xf32>
    tpu.vector_store %arg4[%swap3A_160, %swap3A_161, %swap3A_162], %swap3A_165 {strides = array<i32>} : memref<1x8x256xf32, #tpu.memory_space<vmem>>, vector<1x1x256xf32>,
    %broadcast_in_dim3A_166 = vector.shape_cast %reduce_min3A_153 : vector<256xf32> to vector<256x1xf32>
    %eq3A_167 = vector.broadcast %broadcast_in_dim3A_166 : vector<256x1xf32> to vector<256x4096xf32>
    %eq3A_168 = arith.cmpf oeq, %convert_element_type3A_9, %eq3A_167 : vector<256x4096xf32>
    %jit3A_169 = arith.constant -3.40282347E+38 : f32
    %broadcast_in_dim3A_170 = vector.broadcast %jit3A_169 : f32 to vector<256x4096xf32>
    %select_n3A_171 = arith.select %eq3A_168, %broadcast_in_dim3A_170, %select_n3A_143 : vector<256x4096xi1>, vector<256x4096xf32>
    %reduce_max3A_172 = arith.constant dense<0xFF800000> : vector<256xf32>
    %reduce_max3A_173 = vector.multi_reduction <maximumf>, %select_n3A_171, %reduce_max3A_172 [1] : vector<256x4096xf32> to vector<256xf32>
    %broadcast_in_dim3A_174 = vector.shape_cast %reduce_max3A_173 : vector<256xf32> to vector<256x1xf32>
    %eq3A_175 = vector.broadcast %broadcast_in_dim3A_174 : vector<256x1xf32> to vector<256x4096xf32>
    %eq3A_176 = arith.cmpf oeq, %select_n3A_171, %eq3A_175 : vector<256x4096xf32>
    %jit3A_177 = arith.constant 1.07374182E+9 : f32
    %broadcast_in_dim3A_178 = vector.broadcast %jit3A_177 : f32 to vector<256x4096xf32>
    %select_n3A_179 = arith.select %eq3A_176, %convert_element_type3A_9, %broadcast_in_dim3A_178 : vector<256x4096xi1>, vector<256x4096xf32>
    %reduce_min3A_180 = arith.constant dense<0x7F800000> : vector<256xf32>
    %reduce_min3A_181 = vector.multi_reduction <minimumf>, %select_n3A_179, %reduce_min3A_180 [1] : vector<256x4096xf32> to vector<256xf32>
    %swap3A_182 = arith.constant 0 : index
    %swap3A_183 = arith.constant 6 : index
    %swap3A_184 = arith.constant 0 : index
    %swap3A_185 = vector.load %arg3[%swap3A_182, %swap3A_183, %swap3A_184] : memref<1x8x256xf32, #tpu.memory_space<vmem>>, vector<1x1x256xf32>
    %swap3A_186 = vector.shape_cast %swap3A_185 : vector<1x1x256xf32> to vector<256xf32>
    %swap3A_187 = vector.shape_cast %reduce_max3A_173 : vector<256xf32> to vector<1x1x256xf32>
    tpu.vector_store %arg3[%swap3A_182, %swap3A_183, %swap3A_184], %swap3A_187 {strides = array<i32>} : memref<1x8x256xf32, #tpu.memory_space<vmem>>, vector<1x1x256xf32>,
    %swap3A_188 = arith.constant 0 : index
    %swap3A_189 = arith.constant 6 : index
    %swap3A_190 = arith.constant 0 : index
    %swap3A_191 = vector.load %arg4[%swap3A_188, %swap3A_189, %swap3A_190] : memref<1x8x256xf32, #tpu.memory_space<vmem>>, vector<1x1x256xf32>
    %swap3A_192 = vector.shape_cast %swap3A_191 : vector<1x1x256xf32> to vector<256xf32>
    %swap3A_193 = vector.shape_cast %reduce_min3A_181 : vector<256xf32> to vector<1x1x256xf32>
    tpu.vector_store %arg4[%swap3A_188, %swap3A_189, %swap3A_190], %swap3A_193 {strides = array<i32>} : memref<1x8x256xf32, #tpu.memory_space<vmem>>, vector<1x1x256xf32>,
    %broadcast_in_dim3A_194 = arith.constant 0.000000e+00 : f32
    %broadcast_in_dim3A_195 = vector.broadcast %broadcast_in_dim3A_194 : f32 to vector<256xf32>
    %swap3A_196 = arith.constant 0 : index
    %swap3A_197 = arith.constant 7 : index
    %swap3A_198 = arith.constant 0 : index
    %swap3A_199 = vector.load %arg3[%swap3A_196, %swap3A_197, %swap3A_198] : memref<1x8x256xf32, #tpu.memory_space<vmem>>, vector<1x1x256xf32>
    %swap3A_200 = vector.shape_cast %swap3A_199 : vector<1x1x256xf32> to vector<256xf32>
    %swap3A_201 = vector.shape_cast %broadcast_in_dim3A_195 : vector<256xf32> to vector<1x1x256xf32>
    tpu.vector_store %arg3[%swap3A_196, %swap3A_197, %swap3A_198], %swap3A_201 {strides = array<i32>} : memref<1x8x256xf32, #tpu.memory_space<vmem>>, vector<1x1x256xf32>,
    %broadcast_in_dim3A_202 = arith.constant 0.000000e+00 : f32
    %broadcast_in_dim3A_203 = vector.broadcast %broadcast_in_dim3A_202 : f32 to vector<256xf32>
    %swap3A_204 = arith.constant 0 : index
    %swap3A_205 = arith.constant 7 : index
    %swap3A_206 = arith.constant 0 : index
    %swap3A_207 = vector.load %arg4[%swap3A_204, %swap3A_205, %swap3A_206] : memref<1x8x256xf32, #tpu.memory_space<vmem>>, vector<1x1x256xf32>
    %swap3A_208 = vector.shape_cast %swap3A_207 : vector<1x1x256xf32> to vector<256xf32>
    %swap3A_209 = vector.shape_cast %broadcast_in_dim3A_203 : vector<256xf32> to vector<1x1x256xf32>
    tpu.vector_store %arg4[%swap3A_204, %swap3A_205, %swap3A_206], %swap3A_209 {strides = array<i32>} : memref<1x8x256xf32, #tpu.memory_space<vmem>>, vector<1x1x256xf32>,
    return
  }
  func.func @transform_0(%arg0: i32, %arg1: i32) -> (i32, i32, i32) {
    %c0_i32 = arith.constant 0 : i32
    %c0_i32_0 = arith.constant 0 : i32
    %c0_i32_1 = arith.constant 0 : i32
    return %arg0, %c0_i32, %c0_i32_0 : i32, i32, i32
  }
  func.func @transform_1(%arg0: i32, %arg1: i32) -> (i32, i32, i32) {
    %c0_i32 = arith.constant 0 : i32
    %c0_i32_0 = arith.constant 0 : i32
    return %arg0, %c0_i32, %arg1 : i32, i32, i32
  }
  func.func @transform_2(%arg0: i32, %arg1: i32) -> (i32, i32, i32) {
    %c0_i32 = arith.constant 0 : i32
    %c0_i32_0 = arith.constant 0 : i32
    return %arg0, %c0_i32, %arg1 : i32, i32, i32
  }
}

module attributes {stable_mosaic.version = 14 : i64} {
  func.func @_combine_kernel(%arg0: i32, %arg1: i32, %arg2: memref<1x7x2048x128xf32, #tpu.memory_space<vmem>>, %arg3: memref<1x8x2048xf32, #tpu.memory_space<vmem>>, %arg4: memref<7x96x128xf32, #tpu.memory_space<vmem>>, %arg5: memref<96x1xf32, #tpu.memory_space<vmem>>, %arg6: memref<1x96x2048xf32, #tpu.memory_space<vmem>>) attributes {dimension_semantics = [#tpu.dimension_semantics<arbitrary>, #tpu.dimension_semantics<arbitrary>], iteration_bounds = array<i64: 1, 2>, scalar_prefetch = 0 : i64, scratch_operands = 0 : i64, tpu.core_type = #tpu.core_type<tc>, window_params = [{transform_indices = @transform_0, window_bounds = array<i64: 1, 7, 2048, 128>}, {transform_indices = @transform_1, window_bounds = array<i64: 1, 8, 2048>}, {pipeline_mode = #tpu.pipeline_mode<synchronous>, transform_indices = @transform_2, window_bounds = array<i64: 7, 96, 128>}, {pipeline_mode = #tpu.pipeline_mode<synchronous>, transform_indices = @transform_3, window_bounds = array<i64: 96, 1>}, {transform_indices = @transform_4, window_bounds = array<i64: 1, 96, 2048>}]} {
    %broadcast_in_dim3A = arith.constant 0.000000e+00 : f32
    %broadcast_in_dim3A_0 = vector.broadcast %broadcast_in_dim3A : f32 to vector<96x2048xf32>
    %get3A = arith.constant 0 : index
    %get3A_1 = arith.constant 0 : index
    %get3A_2 = arith.constant 0 : index
    %get3A_3 = arith.constant 0 : index
    %get3A_4 = vector.load %arg2[%get3A, %get3A_1, %get3A_2, %get3A_3] : memref<1x7x2048x128xf32, #tpu.memory_space<vmem>>, vector<1x1x2048x128xf32>
    %get3A_5 = vector.shape_cast %get3A_4 : vector<1x1x2048x128xf32> to vector<2048x128xf32>
    %get3A_6 = arith.constant 0 : index
    %get3A_7 = arith.constant 0 : index
    %get3A_8 = arith.constant 0 : index
    %get3A_9 = vector.load %arg3[%get3A_6, %get3A_7, %get3A_8] : memref<1x8x2048xf32, #tpu.memory_space<vmem>>, vector<1x1x2048xf32>
    %get3A_10 = vector.shape_cast %get3A_9 : vector<1x1x2048xf32> to vector<2048xf32>
    %broadcast_in_dim3A_11 = vector.shape_cast %get3A_10 : vector<2048xf32> to vector<2048x1xf32>
    %mul3A = vector.broadcast %broadcast_in_dim3A_11 : vector<2048x1xf32> to vector<2048x128xf32>
    %mul3A_12 = arith.mulf %get3A_5, %mul3A : vector<2048x128xf32>
    %get3A_13 = arith.constant 0 : index
    %get3A_14 = arith.constant 0 : index
    %get3A_15 = arith.constant 0 : index
    %get3A_16 = vector.load %arg4[%get3A_13, %get3A_14, %get3A_15] : memref<7x96x128xf32, #tpu.memory_space<vmem>>, vector<1x96x128xf32>
    %get3A_17 = vector.shape_cast %get3A_16 : vector<1x96x128xf32> to vector<96x128xf32>
    %dot_general3A = arith.constant dense<0.000000e+00> : vector<96x2048xf32>
    %dot_general3A_18 = tpu.matmul %get3A_17, %mul3A_12, %dot_general3A {dimension_numbers = #tpu.dot_dimension_numbers<[1], [1], [0], [0], [0, 0, 1, 0], [], []>, transpose_lhs_hint = false} : vector<96x128xf32>, vector<2048x128xf32>, vector<96x2048xf32> -> vector<96x2048xf32>
    %add3A = arith.addf %broadcast_in_dim3A_0, %dot_general3A_18 : vector<96x2048xf32>
    %get3A_19 = arith.constant 0 : index
    %get3A_20 = arith.constant 1 : index
    %get3A_21 = arith.constant 0 : index
    %get3A_22 = arith.constant 0 : index
    %get3A_23 = vector.load %arg2[%get3A_19, %get3A_20, %get3A_21, %get3A_22] : memref<1x7x2048x128xf32, #tpu.memory_space<vmem>>, vector<1x1x2048x128xf32>
    %get3A_24 = vector.shape_cast %get3A_23 : vector<1x1x2048x128xf32> to vector<2048x128xf32>
    %get3A_25 = arith.constant 0 : index
    %get3A_26 = arith.constant 1 : index
    %get3A_27 = arith.constant 0 : index
    %get3A_28 = vector.load %arg3[%get3A_25, %get3A_26, %get3A_27] : memref<1x8x2048xf32, #tpu.memory_space<vmem>>, vector<1x1x2048xf32>
    %get3A_29 = vector.shape_cast %get3A_28 : vector<1x1x2048xf32> to vector<2048xf32>
    %broadcast_in_dim3A_30 = vector.shape_cast %get3A_29 : vector<2048xf32> to vector<2048x1xf32>
    %mul3A_31 = vector.broadcast %broadcast_in_dim3A_30 : vector<2048x1xf32> to vector<2048x128xf32>
    %mul3A_32 = arith.mulf %get3A_24, %mul3A_31 : vector<2048x128xf32>
    %get3A_33 = arith.constant 1 : index
    %get3A_34 = arith.constant 0 : index
    %get3A_35 = arith.constant 0 : index
    %get3A_36 = vector.load %arg4[%get3A_33, %get3A_34, %get3A_35] : memref<7x96x128xf32, #tpu.memory_space<vmem>>, vector<1x96x128xf32>
    %get3A_37 = vector.shape_cast %get3A_36 : vector<1x96x128xf32> to vector<96x128xf32>
    %dot_general3A_38 = arith.constant dense<0.000000e+00> : vector<96x2048xf32>
    %dot_general3A_39 = tpu.matmul %get3A_37, %mul3A_32, %dot_general3A_38 {dimension_numbers = #tpu.dot_dimension_numbers<[1], [1], [0], [0], [0, 0, 1, 0], [], []>, transpose_lhs_hint = false} : vector<96x128xf32>, vector<2048x128xf32>, vector<96x2048xf32> -> vector<96x2048xf32>
    %add3A_40 = arith.addf %add3A, %dot_general3A_39 : vector<96x2048xf32>
    %get3A_41 = arith.constant 0 : index
    %get3A_42 = arith.constant 2 : index
    %get3A_43 = arith.constant 0 : index
    %get3A_44 = arith.constant 0 : index
    %get3A_45 = vector.load %arg2[%get3A_41, %get3A_42, %get3A_43, %get3A_44] : memref<1x7x2048x128xf32, #tpu.memory_space<vmem>>, vector<1x1x2048x128xf32>
    %get3A_46 = vector.shape_cast %get3A_45 : vector<1x1x2048x128xf32> to vector<2048x128xf32>
    %get3A_47 = arith.constant 0 : index
    %get3A_48 = arith.constant 2 : index
    %get3A_49 = arith.constant 0 : index
    %get3A_50 = vector.load %arg3[%get3A_47, %get3A_48, %get3A_49] : memref<1x8x2048xf32, #tpu.memory_space<vmem>>, vector<1x1x2048xf32>
    %get3A_51 = vector.shape_cast %get3A_50 : vector<1x1x2048xf32> to vector<2048xf32>
    %broadcast_in_dim3A_52 = vector.shape_cast %get3A_51 : vector<2048xf32> to vector<2048x1xf32>
    %mul3A_53 = vector.broadcast %broadcast_in_dim3A_52 : vector<2048x1xf32> to vector<2048x128xf32>
    %mul3A_54 = arith.mulf %get3A_46, %mul3A_53 : vector<2048x128xf32>
    %get3A_55 = arith.constant 2 : index
    %get3A_56 = arith.constant 0 : index
    %get3A_57 = arith.constant 0 : index
    %get3A_58 = vector.load %arg4[%get3A_55, %get3A_56, %get3A_57] : memref<7x96x128xf32, #tpu.memory_space<vmem>>, vector<1x96x128xf32>
    %get3A_59 = vector.shape_cast %get3A_58 : vector<1x96x128xf32> to vector<96x128xf32>
    %dot_general3A_60 = arith.constant dense<0.000000e+00> : vector<96x2048xf32>
    %dot_general3A_61 = tpu.matmul %get3A_59, %mul3A_54, %dot_general3A_60 {dimension_numbers = #tpu.dot_dimension_numbers<[1], [1], [0], [0], [0, 0, 1, 0], [], []>, transpose_lhs_hint = false} : vector<96x128xf32>, vector<2048x128xf32>, vector<96x2048xf32> -> vector<96x2048xf32>
    %add3A_62 = arith.addf %add3A_40, %dot_general3A_61 : vector<96x2048xf32>
    %get3A_63 = arith.constant 0 : index
    %get3A_64 = arith.constant 3 : index
    %get3A_65 = arith.constant 0 : index
    %get3A_66 = arith.constant 0 : index
    %get3A_67 = vector.load %arg2[%get3A_63, %get3A_64, %get3A_65, %get3A_66] : memref<1x7x2048x128xf32, #tpu.memory_space<vmem>>, vector<1x1x2048x128xf32>
    %get3A_68 = vector.shape_cast %get3A_67 : vector<1x1x2048x128xf32> to vector<2048x128xf32>
    %get3A_69 = arith.constant 0 : index
    %get3A_70 = arith.constant 3 : index
    %get3A_71 = arith.constant 0 : index
    %get3A_72 = vector.load %arg3[%get3A_69, %get3A_70, %get3A_71] : memref<1x8x2048xf32, #tpu.memory_space<vmem>>, vector<1x1x2048xf32>
    %get3A_73 = vector.shape_cast %get3A_72 : vector<1x1x2048xf32> to vector<2048xf32>
    %broadcast_in_dim3A_74 = vector.shape_cast %get3A_73 : vector<2048xf32> to vector<2048x1xf32>
    %mul3A_75 = vector.broadcast %broadcast_in_dim3A_74 : vector<2048x1xf32> to vector<2048x128xf32>
    %mul3A_76 = arith.mulf %get3A_68, %mul3A_75 : vector<2048x128xf32>
    %get3A_77 = arith.constant 3 : index
    %get3A_78 = arith.constant 0 : index
    %get3A_79 = arith.constant 0 : index
    %get3A_80 = vector.load %arg4[%get3A_77, %get3A_78, %get3A_79] : memref<7x96x128xf32, #tpu.memory_space<vmem>>, vector<1x96x128xf32>
    %get3A_81 = vector.shape_cast %get3A_80 : vector<1x96x128xf32> to vector<96x128xf32>
    %dot_general3A_82 = arith.constant dense<0.000000e+00> : vector<96x2048xf32>
    %dot_general3A_83 = tpu.matmul %get3A_81, %mul3A_76, %dot_general3A_82 {dimension_numbers = #tpu.dot_dimension_numbers<[1], [1], [0], [0], [0, 0, 1, 0], [], []>, transpose_lhs_hint = false} : vector<96x128xf32>, vector<2048x128xf32>, vector<96x2048xf32> -> vector<96x2048xf32>
    %add3A_84 = arith.addf %add3A_62, %dot_general3A_83 : vector<96x2048xf32>
    %get3A_85 = arith.constant 0 : index
    %get3A_86 = arith.constant 4 : index
    %get3A_87 = arith.constant 0 : index
    %get3A_88 = arith.constant 0 : index
    %get3A_89 = vector.load %arg2[%get3A_85, %get3A_86, %get3A_87, %get3A_88] : memref<1x7x2048x128xf32, #tpu.memory_space<vmem>>, vector<1x1x2048x128xf32>
    %get3A_90 = vector.shape_cast %get3A_89 : vector<1x1x2048x128xf32> to vector<2048x128xf32>
    %get3A_91 = arith.constant 0 : index
    %get3A_92 = arith.constant 4 : index
    %get3A_93 = arith.constant 0 : index
    %get3A_94 = vector.load %arg3[%get3A_91, %get3A_92, %get3A_93] : memref<1x8x2048xf32, #tpu.memory_space<vmem>>, vector<1x1x2048xf32>
    %get3A_95 = vector.shape_cast %get3A_94 : vector<1x1x2048xf32> to vector<2048xf32>
    %broadcast_in_dim3A_96 = vector.shape_cast %get3A_95 : vector<2048xf32> to vector<2048x1xf32>
    %mul3A_97 = vector.broadcast %broadcast_in_dim3A_96 : vector<2048x1xf32> to vector<2048x128xf32>
    %mul3A_98 = arith.mulf %get3A_90, %mul3A_97 : vector<2048x128xf32>
    %get3A_99 = arith.constant 4 : index
    %get3A_100 = arith.constant 0 : index
    %get3A_101 = arith.constant 0 : index
    %get3A_102 = vector.load %arg4[%get3A_99, %get3A_100, %get3A_101] : memref<7x96x128xf32, #tpu.memory_space<vmem>>, vector<1x96x128xf32>
    %get3A_103 = vector.shape_cast %get3A_102 : vector<1x96x128xf32> to vector<96x128xf32>
    %dot_general3A_104 = arith.constant dense<0.000000e+00> : vector<96x2048xf32>
    %dot_general3A_105 = tpu.matmul %get3A_103, %mul3A_98, %dot_general3A_104 {dimension_numbers = #tpu.dot_dimension_numbers<[1], [1], [0], [0], [0, 0, 1, 0], [], []>, transpose_lhs_hint = false} : vector<96x128xf32>, vector<2048x128xf32>, vector<96x2048xf32> -> vector<96x2048xf32>
    %add3A_106 = arith.addf %add3A_84, %dot_general3A_105 : vector<96x2048xf32>
    %get3A_107 = arith.constant 0 : index
    %get3A_108 = arith.constant 5 : index
    %get3A_109 = arith.constant 0 : index
    %get3A_110 = arith.constant 0 : index
    %get3A_111 = vector.load %arg2[%get3A_107, %get3A_108, %get3A_109, %get3A_110] : memref<1x7x2048x128xf32, #tpu.memory_space<vmem>>, vector<1x1x2048x128xf32>
    %get3A_112 = vector.shape_cast %get3A_111 : vector<1x1x2048x128xf32> to vector<2048x128xf32>
    %get3A_113 = arith.constant 0 : index
    %get3A_114 = arith.constant 5 : index
    %get3A_115 = arith.constant 0 : index
    %get3A_116 = vector.load %arg3[%get3A_113, %get3A_114, %get3A_115] : memref<1x8x2048xf32, #tpu.memory_space<vmem>>, vector<1x1x2048xf32>
    %get3A_117 = vector.shape_cast %get3A_116 : vector<1x1x2048xf32> to vector<2048xf32>
    %broadcast_in_dim3A_118 = vector.shape_cast %get3A_117 : vector<2048xf32> to vector<2048x1xf32>
    %mul3A_119 = vector.broadcast %broadcast_in_dim3A_118 : vector<2048x1xf32> to vector<2048x128xf32>
    %mul3A_120 = arith.mulf %get3A_112, %mul3A_119 : vector<2048x128xf32>
    %get3A_121 = arith.constant 5 : index
    %get3A_122 = arith.constant 0 : index
    %get3A_123 = arith.constant 0 : index
    %get3A_124 = vector.load %arg4[%get3A_121, %get3A_122, %get3A_123] : memref<7x96x128xf32, #tpu.memory_space<vmem>>, vector<1x96x128xf32>
    %get3A_125 = vector.shape_cast %get3A_124 : vector<1x96x128xf32> to vector<96x128xf32>
    %dot_general3A_126 = arith.constant dense<0.000000e+00> : vector<96x2048xf32>
    %dot_general3A_127 = tpu.matmul %get3A_125, %mul3A_120, %dot_general3A_126 {dimension_numbers = #tpu.dot_dimension_numbers<[1], [1], [0], [0], [0, 0, 1, 0], [], []>, transpose_lhs_hint = false} : vector<96x128xf32>, vector<2048x128xf32>, vector<96x2048xf32> -> vector<96x2048xf32>
    %add3A_128 = arith.addf %add3A_106, %dot_general3A_127 : vector<96x2048xf32>
    %get3A_129 = arith.constant 0 : index
    %get3A_130 = arith.constant 6 : index
    %get3A_131 = arith.constant 0 : index
    %get3A_132 = arith.constant 0 : index
    %get3A_133 = vector.load %arg2[%get3A_129, %get3A_130, %get3A_131, %get3A_132] : memref<1x7x2048x128xf32, #tpu.memory_space<vmem>>, vector<1x1x2048x128xf32>
    %get3A_134 = vector.shape_cast %get3A_133 : vector<1x1x2048x128xf32> to vector<2048x128xf32>
    %get3A_135 = arith.constant 0 : index
    %get3A_136 = arith.constant 6 : index
    %get3A_137 = arith.constant 0 : index
    %get3A_138 = vector.load %arg3[%get3A_135, %get3A_136, %get3A_137] : memref<1x8x2048xf32, #tpu.memory_space<vmem>>, vector<1x1x2048xf32>
    %get3A_139 = vector.shape_cast %get3A_138 : vector<1x1x2048xf32> to vector<2048xf32>
    %broadcast_in_dim3A_140 = vector.shape_cast %get3A_139 : vector<2048xf32> to vector<2048x1xf32>
    %mul3A_141 = vector.broadcast %broadcast_in_dim3A_140 : vector<2048x1xf32> to vector<2048x128xf32>
    %mul3A_142 = arith.mulf %get3A_134, %mul3A_141 : vector<2048x128xf32>
    %get3A_143 = arith.constant 6 : index
    %get3A_144 = arith.constant 0 : index
    %get3A_145 = arith.constant 0 : index
    %get3A_146 = vector.load %arg4[%get3A_143, %get3A_144, %get3A_145] : memref<7x96x128xf32, #tpu.memory_space<vmem>>, vector<1x96x128xf32>
    %get3A_147 = vector.shape_cast %get3A_146 : vector<1x96x128xf32> to vector<96x128xf32>
    %dot_general3A_148 = arith.constant dense<0.000000e+00> : vector<96x2048xf32>
    %dot_general3A_149 = tpu.matmul %get3A_147, %mul3A_142, %dot_general3A_148 {dimension_numbers = #tpu.dot_dimension_numbers<[1], [1], [0], [0], [0, 0, 1, 0], [], []>, transpose_lhs_hint = false} : vector<96x128xf32>, vector<2048x128xf32>, vector<96x2048xf32> -> vector<96x2048xf32>
    %add3A_150 = arith.addf %add3A_128, %dot_general3A_149 : vector<96x2048xf32>
    %get3A_151 = arith.constant 0 : index
    %get3A_152 = arith.constant 0 : index
    %get3A_153 = vector.load %arg5[%get3A_151, %get3A_152] : memref<96x1xf32, #tpu.memory_space<vmem>>, vector<96x1xf32>
    %add3A_154 = vector.broadcast %get3A_153 : vector<96x1xf32> to vector<96x2048xf32>
    %add3A_155 = arith.addf %add3A_150, %add3A_154 : vector<96x2048xf32>
    %max3A = arith.constant 0.000000e+00 : f32
    %max3A_156 = vector.broadcast %max3A : f32 to vector<96x2048xf32>
    %max3A_157 = arith.maximumf %add3A_155, %max3A_156 : vector<96x2048xf32>
    %swap3A = arith.constant 0 : index
    %swap3A_158 = arith.constant 0 : index
    %swap3A_159 = arith.constant 0 : index
    %swap3A_160 = vector.load %arg6[%swap3A, %swap3A_158, %swap3A_159] : memref<1x96x2048xf32, #tpu.memory_space<vmem>>, vector<1x96x2048xf32>
    %swap3A_161 = vector.shape_cast %swap3A_160 : vector<1x96x2048xf32> to vector<96x2048xf32>
    %swap3A_162 = vector.shape_cast %max3A_157 : vector<96x2048xf32> to vector<1x96x2048xf32>
    tpu.vector_store %arg6[%swap3A, %swap3A_158, %swap3A_159], %swap3A_162 {strides = array<i32>} : memref<1x96x2048xf32, #tpu.memory_space<vmem>>, vector<1x96x2048xf32>,
    return
  }
  func.func @transform_0(%arg0: i32, %arg1: i32) -> (i32, i32, i32, i32) {
    %c0_i32 = arith.constant 0 : i32
    %c0_i32_0 = arith.constant 0 : i32
    %c0_i32_1 = arith.constant 0 : i32
    return %arg0, %c0_i32, %arg1, %c0_i32_0 : i32, i32, i32, i32
  }
  func.func @transform_1(%arg0: i32, %arg1: i32) -> (i32, i32, i32) {
    %c0_i32 = arith.constant 0 : i32
    %c0_i32_0 = arith.constant 0 : i32
    return %arg0, %c0_i32, %arg1 : i32, i32, i32
  }
  func.func @transform_2(%arg0: i32, %arg1: i32) -> (i32, i32, i32) {
    %c0_i32 = arith.constant 0 : i32
    %c0_i32_0 = arith.constant 0 : i32
    %c0_i32_1 = arith.constant 0 : i32
    %c0_i32_2 = arith.constant 0 : i32
    return %c0_i32, %c0_i32_0, %c0_i32_1 : i32, i32, i32
  }
  func.func @transform_3(%arg0: i32, %arg1: i32) -> (i32, i32) {
    %c0_i32 = arith.constant 0 : i32
    %c0_i32_0 = arith.constant 0 : i32
    %c0_i32_1 = arith.constant 0 : i32
    return %c0_i32, %c0_i32_0 : i32, i32
  }
  func.func @transform_4(%arg0: i32, %arg1: i32) -> (i32, i32, i32) {
    %c0_i32 = arith.constant 0 : i32
    %c0_i32_0 = arith.constant 0 : i32
    return %arg0, %c0_i32, %arg1 : i32, i32, i32
  }
}

</mosaic_0001>

<sc_bundles>
// kernel: kernel.11.cloned.1.call-start
scs
__scs_entry_jumppad:
0x0: {  	(pc) =	sbr.rel $0x88, $3  }
0x1: {  	(tag) =	ssettag $0x0;
	lr =	simm.s32 $0x1  }
0x2: {  	[smem:$0x3F9E] =	sst lr;
	_ =	strace $0xD0000000  }
0x3: {  	_ = 	snop  }
0x4: {  	_ = 	snop  }
0x5: {  	_ = 	snop  }
0x6: {  	_ = 	snop  }
0x7: {  	_ = 	snop  }
__scs_overlays_trampoline_lowered:
0x8: {  	[smem:$0x3FAD] =	sst s0  }
0x9: {  	[smem:$0x3FAE] =	sst s1  }
0xa: {  	[smem:$0x3FAF] =	sst s2  }
0xb: {  	[smem:$0x3FB0] =	sst s3  }
0xc: {  	[smem:$0x3FB1] =	sst s4  }
0xd: {  	[smem:$0x3FB2] =	sst s5  }
0xe: {  	[smem:$0x3FB3] =	sst s6  }
0xf: {  	[smem:$0x3FB4] =	sst s7  }
0x10: {  	[smem:$0x3FB5] =	sst s8  }
0x11: {  	[smem:$0x3FB6] =	sst s9;
	s0 =	simm.s32 @!p0 $0x0  }
0x12: {  	s1 =	sld [smem:$0x3F9C];
	s0 =	simm.s32 @p0 $0x1  }
0x13: {  	[smem:$0x3FB7] =	sst s0;
	s0 =	simm.s32 @!p1 $0x0  }
0x14: {  	s2 =	sld [smem:$0x3F9B];
	s0 =	simm.s32 @p1 $0x1  }
0x15: {  	[smem:$0x3FB8] =	sst s0;
	s0 =	simm.s32 @!p2 $0x0  }
0x16: {  	s3 =	sld [smem:$0x3FDB];
	s0 =	simm.s32 @p2 $0x1  }
0x17: {  	s4 =	simm.s32 $0x1BF5;
	[smem:$0x3FBA] =	sst s0  }
0x18: {  	s0 =	sld [smem:$0x3F9D];
	_ =	swait.ge [sflag:s4], $0x0  }
0x19: {  	s7 =	sld [smem:$0x3F9E]  }
0x1a: {  	s8 =	sadd.s32 $0xFFFFE003, lr  }
0x1b: {  	s9 =	sadd.s32 $0xFFFFFEF7, lr;
	s5 =	simm.s32 $0xFFFFFFFF;
	p2 =	slt.u32 s8, $0xFFFFF086  }
0x1c: {  	p1 =	slt.u32 s9, $0xF7A;
	s5 =	simm.s32 @!p2 $0x0  }
0x1d: {  	s5 =	simm.s32 @p1 $0x1;
	p0 =	seq.s32 s7, s2  }
0x1e: {  	s7 =	smul.u32 @!p0 $0xF7A, s2;
	p2 =	seq.s32 @!p0 s5, $0x0  }
0x1f: {  	s9 =	smul.u32 $0xF7A, s1;
	s8 =	simm.s32 @!p0 $0x1BF5;
	p2 =	por !p2, p0  }
0x20: {  	[sflag:s8] =	ssyncset.s32 @!p0 $0xFFFFF086;
	s6 =	sadd.s32 @!p0 s3, s7;
	s7 =	simm.s32 @!p0 $0x108  }
0x21: {  	s3 =	sadd.s32 s3, s9;
	s6 =	sadd.s32 @!p0 $0x88, s6;
	s7 =	simm.s32 @p2 $0x1082  }
0x22: {  	[simem:s7], [sflag:s8] =	dma.local @!p0 [hbm:s6], $0xF7A  }
0x23: {  	s9 =	sor.u32 $0xD0000000, s2;
	s6 =	simm.s32 $0x108;
	_ =	swait.ge @!p0 [sflag:s8], $0x0  }
0x24: {  	s3 =	sadd.s32 $0x88, s3;
	s6 =	simm.s32 @!p1 $0x1082;
	[sflag:s4] =	ssyncset.s32 $0xFFFFF086  }
0x25: {  	[simem:s6], [sflag:s4] =	dma.local [hbm:s3], $0xF7A  }
0x26: {  	[smem:$0x3F9E] =	sst s1;
	(tag) =	ssettag s2;
	_ =	strace s9  }
0x27: {  	s1 =	sld [smem:$0x3FAE]  }
0x28: {  	s2 =	sld [smem:$0x3FAF]  }
0x29: {  	s4 =	sld [smem:$0x3FB1]  }
0x2a: {  	p0 =	seq.s32 s5, $0x0;
	s5 =	sld [smem:$0x3FB2]  }
0x2b: {  	s6 =	sld [smem:$0x3FB3]  }
0x2c: {  	s7 =	sld [smem:$0x3FB4]  }
0x2d: {  	s3 =	simm.s32 $0x108;
	s8 =	sld [smem:$0x3FB5]  }
0x2e: {  	s3 =	simm.s32 @!p0 $0x1082;
	s9 =	sld [smem:$0x3FB6]  }
0x2f: {  	lr =	sadd.s32 s0, s3;
	s0 =	sld [smem:$0x3FAD]  }
0x30: {  	s3 =	sld [smem:$0x3FB0]  }
0x31: {  	[smem:$0x3FB9] =	sst s10  }
0x32: {  	s10 =	sld [smem:$0x3FB7];
	_ =	sdelay $0x3  }
0x33: {  	p0 =	seq.s32 s10, $0x1;
	s10 =	sld [smem:$0x3FB9];
	_ =	sdelay $0x3  }
0x34: {  	[smem:$0x3FB9] =	sst s10  }
0x35: {  	s10 =	sld [smem:$0x3FB8];
	_ =	sdelay $0x3  }
0x36: {  	p1 =	seq.s32 s10, $0x1;
	s10 =	sld [smem:$0x3FB9];
	_ =	sdelay $0x3  }
0x37: {  	[smem:$0x3FB9] =	sst s10  }
0x38: {  	s10 =	sld [smem:$0x3FBA]  }
0x39: {  	_ = 	snop;
	(pc) =	sbr.ind lr, $3  }
0x3a: {  	_ = 	snop  }
0x3b: {  	_ = 	snop  }
0x3c: {  	p2 =	seq.s32 s10, $0x1;
	s10 =	sld [smem:$0x3FB9]  }
0x3d: {  	_ =	shalt  }
0x3e: {  	_ =	shalt  }
0x3f: {  	_ =	shalt  }
0x40: {  	_ =	shalt  }
0x41: {  	_ =	shalt  }
0x42: {  	_ =	shalt  }
0x43: {  	_ =	shalt  }
0x44: {  	_ =	shalt  }
0x45: {  	_ =	shalt  }
0x46: {  	_ =	shalt  }
0x47: {  	_ =	shalt  }
0x48: {  	_ =	shalt  }
0x49: {  	_ =	shalt  }
0x4a: {  	_ =	shalt  }
0x4b: {  	_ =	shalt  }
0x4c: {  	_ =	shalt  }
0x4d: {  	_ =	shalt  }
0x4e: {  	_ =	shalt  }
0x4f: {  	_ =	shalt  }
0x50: {  	_ =	shalt  }
0x51: {  	_ =	shalt  }
0x52: {  	_ =	shalt  }
0x53: {  	_ =	shalt  }
0x54: {  	_ =	shalt  }
0x55: {  	_ =	shalt  }
0x56: {  	_ =	shalt  }
0x57: {  	_ =	shalt  }
0x58: {  	_ =	shalt  }
0x59: {  	_ =	shalt  }
0x5a: {  	_ =	shalt  }
0x5b: {  	_ =	shalt  }
0x5c: {  	_ =	shalt  }
0x5d: {  	_ =	shalt  }
0x5e: {  	_ =	shalt  }
0x5f: {  	_ =	shalt  }
0x60: {  	_ =	shalt  }
0x61: {  	_ =	shalt  }
0x62: {  	_ =	shalt  }
0x63: {  	_ =	shalt  }
0x64: {  	_ =	shalt  }
0x65: {  	_ =	shalt  }
0x66: {  	_ =	shalt  }
0x67: {  	_ =	shalt  }
0x68: {  	_ =	shalt  }
0x69: {  	_ =	shalt  }
0x6a: {  	_ =	shalt  }
0x6b: {  	_ =	shalt  }
0x6c: {  	_ =	shalt  }
0x6d: {  	_ =	shalt  }
0x6e: {  	_ =	shalt  }
0x6f: {  	_ =	shalt  }
0x70: {  	_ =	shalt  }
0x71: {  	_ =	shalt  }
0x72: {  	_ =	shalt  }
0x73: {  	_ =	shalt  }
0x74: {  	_ =	shalt  }
0x75: {  	_ =	shalt  }
0x76: {  	_ =	shalt  }
0x77: {  	_ =	shalt  }
0x78: {  	_ =	shalt  }
0x79: {  	_ =	shalt  }
0x7a: {  	_ =	shalt  }
0x7b: {  	_ =	shalt  }
0x7c: {  	_ =	shalt  }
0x7d: {  	_ =	shalt  }
0x7e: {  	_ =	shalt  }
0x7f: {  	_ =	shalt  }
0x80: {  	_ =	shalt  }
0x81: {  	_ =	shalt  }
0x82: {  	_ =	shalt  }
0x83: {  	_ =	shalt  }
0x84: {  	_ =	shalt  }
0x85: {  	_ =	shalt  }
0x86: {  	_ =	shalt  }
0x87: {  	_ =	shalt  }
.Lfunc_end0:
.L_simem_size_0:
called_computation.1_lowered:
.L_overlay_start_0:
0x88: {  	s2 =	sld [smem:$0x3FD9]  }
0x89: {  	s3 =	sld [smem:$0x3FFE];
	_ =	sdelay $0x1  }
0x8a: {  	s1 =	srdreg.scid  }
0x8b: {  	s0 =	sand.u32 $0x1, s1  }
0x8c: {  	s17 =	sshll.u32 s0, $0xA;
	s2 =	sadd.s32 s3, s2  }
0x8d: {  	s2 =	sadd.s32 s2, s17  }
0x8e: {  	[smem:$0x3FC5] =	sst s2  }
0x8f: {  	_ = 	snop  }
0x90: {  	s18 =	sld [smem:$0x3FD0];
	(tm) =	ssettm $0x1  }
0x91: {  	s19 =	sld [smem:$0x3FFB];
	_ =	sdelay $0x3  }
0x92: {  	_ =	strace s19  }
0x93: {  	s2 =	sld [smem:$0x3FFC];
	_ =	sdelay $0x3  }
0x94: {  	_ =	strace s2  }
0x95: {  	s2 =	sld [smem:$0x3FFD];
	_ =	sdelay $0x3  }
0x96: {  	_ =	strace s2  }
0x97: {  	_ =	strace $0x8FFFFFFF  }
0x98: {  	s20 =	sld [smem:$0x3FDB];
	_ =	sdelay $0x1  }
0x99: {  	s4 =	simm.s32 $_scs_section_size  }
0x9a: {  	s5 =	simm.s32 $_size__tile_overlayer_lowered;
	s6 =	simm.s32 $_tile_overlayer_lowered  }
0x9b: {  	s7 =	simm.s32 $0x1BFF;
	s21 =	sshll.u32 s6, $0x1;
	s4 =	sadd.s32 s4, s20  }
0x9c: {  	s22 =	simm.s32 $0x0;
	s5 =	sshll.u32 s5, $0x1;
	s6 =	sadd.s32 s21, s4  }
0x9d: {  	[timem:s22], [sflag:s7] =	dma.local [hbm:s6], s5  }
0x9e: {  	_ =	swait.ge [sflag:s7], s5  }
0x9f: {  	s5 =	ssub.s32 $0x0, s5;
	[sflag:s7] =	ssyncset.done $0x0  }
0xa0: {  	[sflag:s7] =	ssyncadd.s32 s5;
	_ =	sdelay $0x1  }
0xa1: {  	s23 =	simm.s32 $0x1B8B  }
0xa2: {  	_ =	swait.ge [sflag:s23], $0x1  }
0xa3: {  	[sflag:s23] =	ssyncset.done $0x0  }
0xa4: {  	[sflag:s23] =	ssyncadd.s32 $0xFFFFFFFF  }
0xa5: {  	s5 =	sld [smem:$0x0]  }
0xa6: {  	s6 =	sand.u32 $0xFFFFFFFE, s1  }
0xa7: {  	p0 =	sne.s32 s1, s6  }
0xa8: {  	s6 =	sshll.u32 @p0 s6, $0xE  }
0xa9: {  	s6 =	sadd.s32 @p0 $0x11B8D, s6;
	s7 =	sshll.u32 @p0 s5, $0x11  }
0xaa: {  	s6 =	sor.u32 @p0 s7, s6  }
0xab: {  	[sflag:s6] =	ssyncadd.remote.s32 @p0 $0x1;
	_ =	sdelay $0x1  }
0xac: {  	s6 =	simm.s32 @p0 $0x1B8D  }
0xad: {  	_ =	swait.eq @p0 [sflag:s6], $0x1  }
0xae: {  	[sflag:s6] =	ssyncadd.s32 @p0 $0xFFFFFFFF  }
0xaf: {  	s7 =	sshll.u32 @!p0 s1, $0xE  }
0xb0: {  	s7 =	sor.u32 @!p0 $0x4000, s7;
	s6 =	simm.s32 @!p0 $0x1B8D  }
0xb1: {  	s5 =	sshll.u32 @!p0 s5, $0x11;
	s7 =	sadd.s32 @!p0 $0x11B8D, s7;
	_ =	swait.eq @!p0 [sflag:s6], $0x1  }
0xb2: {  	s5 =	sor.u32 @!p0 s5, s7;
	[sflag:s6] =	ssyncadd.s32 @!p0 $0xFFFFFFFF  }
0xb3: {  	s25 =	simm.s32 $0x1B8E;
	s24 =	sld [smem:$0x3FFE];
	[sflag:s5] =	ssyncadd.remote.s32 @!p0 $0x1  }
0xb4: {  	s26 =	simm.s32 $execute0_lowered;
	[smem:$0x3FD2] =	sst s25  }
0xb5: {  	s6 =	sshll.u32 s26, $0x1;
	_ =	strace $0x80000049;
	[dreg:$0x1] =	wrdreg $0xFFFFFFFF  }
0xb6: {  	s28 =	simm.s32 $_size_execute0_lowered;
	s4 =	sadd.s32 s4, s6;
	[dreg:$0x0] =	wrdreg $0x0  }
0xb7: {  	s6 =	sshll.u32 s28, $0x1;
	[dreg:$0x2] =	wrdreg s4  }
0xb8: {  	[dreg:$0x3] =	wrdreg s6  }
0xb9: {  	[dreg:$0x4] =	wrdreg $0xC0  }
0xba: {  	_ =	task [dreg:s22], $0x5FFFF  }
0xbb: {  	[dreg:$0x1] =	wrdreg $0xFFFFFFFF  }
0xbc: {  	[dreg:$0x0] =	wrdreg $0x60  }
0xbd: {  	[dreg:$0x2] =	wrdreg s18  }
0xbe: {  	[dreg:$0x3] =	wrdreg s24  }
0xbf: {  	[dreg:$0x4] =	wrdreg $0xA  }
0xc0: {  	_ =	task.clear_ibuf [dreg:s22], $0x5FFFF;
	_ =	strace $0x90000049  }
0xc1: {  	s29 =	simm.s32 $0xA;
	_ =	strace $0x8000004B  }
0xc2: {  	_ =	swait.ge [sflag:s29], $0x1  }
0xc3: {  	[sflag:s29] =	ssyncadd.s32 $0xFFFFFFFF  }
0xc4: {  	_ =	strace $0x9000004B  }
0xc5: {  	_ =	sfence  }
0xc6: {  	s30 =	sld [smem:$0x0];
	_ =	sdelay $0x2  }
0xc7: {  	s31 =	sshll.u32 s1, $0xD;
	s1 =	sshrl.u32 s1, $0x2  }
0xc8: {  	s4 =	sand.u32 $0x4000, s31;
	s1 =	sadd.s32 s1, s30  }
0xc9: {  	s0 =	sor.u32 s4, s0;
	s1 =	sshll.u32 s1, $0x11  }
0xca: {  	s0 =	sor.u32 s1, s0  }
0xcb: {  	s0 =	sadd.s32 $0x8F2B, s0  }
0xcc: {  	[sflag:s0] =	ssyncadd.remote.s32 $0x1  }
0xcd: {  	_ =	sfence.sel $0xFFFF  }
0xce: {  	[dreg:$0x0] =	wrdreg $0xFFFFFFFF;
	(pc) =	sbr.abs _section_cstart, $3  }
0xcf: {  	[dreg:$0x1] =	wrdreg $0xFFFFFFFF  }
0xd0: {  	_ =	task.clear_ibuf [dreg:s22], $0x2FFFF;
	_ =	strace $0x9FFFFFFF  }
0xd1: {  	(tm) =	ssettm $0x7FFFFFFF  }
tec
execute0_lowered:
.L_overlay_start_1:
0x0: {  	(tag) =	ssettag $0x1  }
0x1: {  	s1 =	srdreg.scid;
	s0 =	stileid.u32  }
0x2: {  	s2 =	rddreg [dreg:$0x0];
	s22 =	sand.u32 $0x1, s1;
	s30 =	sshll.u32 s0, $0x1  }
0x3: {  	s10 =	rddreg [dreg:$0x1];
	s11 =	sor.u32 s22, s30  }
0x4: {  	s3 =	simm.s32 $0x0;
	s1 =	rddreg [dreg:$0x2];
	s4 =	sshll.u32 s11, $0x7  }
0x5: {  	[smem:$0x7FF] =	sst s3;
	s4 =	sadd.s32 s4, s10  }
0x6: {  	_ =	strace $0x8000004A;
	s5 =	sadd.s32 $0x82800, s4;
	s4 =	simm.s32 $0x3  }
0x7: {  	[tilespmem:s3], [sflag:$0x3] =	stream.linear.gather [hbm4b:s5+s3], $0x400, $0x38;
	[tilespmem:$0x8400] =	vst v63  }
0x8: {  	_ =	swait.ge [sflag:s4], $0x400  }
0x9: {  	[sflag:s4] =	ssyncset.done $0x0  }
0xa: {  	s6 =	simm.s32 $0x80;
	s7 =	simm.s32 $0x400;
	[sflag:s4] =	ssyncadd.s32 $0xFFFFFC00  }
0xb: {  	[tilespmem:s7], [sflag:$0x1] =	stream.indirect.gather [hbm4b:s2+s6], $0x80, s3, s6, $0xb8;
	[tilespmem:$0x8400] =	vst v63  }
0xc: {  	s8 =	simm.s32 $0x4400;
	s9 =	simm.s32 $0x1  }
0xd: {  	[tilespmem:s8], [sflag:$0x2] =	stream.indirect.gather [hbm4b:s2+s6], $0x80, s6, s6, $0xb8;
	[tilespmem:$0x8400] =	vst v63  }
0xe: {  	s12 =	smul.u32 $0x3800, s11;
	_ =	swait.ge [sflag:s9], $0x4000  }
0xf: {  	s13 =	sadd.s32 $0x83800, s10;
	[sflag:s9] =	ssyncset.done $0x0  }
0x10: {  	s10 =	sadd.s32 s13, s12;
	[sflag:s9] =	ssyncadd.s32 $0xFFFFC000  }
0x11: {  	[hbm4b:s10+s3] =	stream.linear.scatter [tilespmem:s7], [sflag:$0x3], $0x4000, $0x38;
	[tilespmem:$0x8400] =	vst v63  }
0x12: {  	_ =	swait.ge [sflag:s4], $0x4000  }
0x13: {  	s14 =	smul.u32 $0x1C000, s11;
	[sflag:s4] =	ssyncset.done $0x0  }
0x14: {  	s11 =	simm.s32 $0x100;
	s12 =	simm.s32 $0x2;
	[sflag:s4] =	ssyncadd.s32 $0xFFFFC000  }
0x15: {  	[tilespmem:s7], [sflag:$0x1] =	stream.indirect.gather [hbm4b:s2+s6], $0x80, s11, s6, $0xb8;
	[tilespmem:$0x8400] =	vst v63  }
0x16: {  	s14 =	sshrl.u32 s14, $0x3;
	_ =	swait.ge [sflag:s12], $0x4000  }
0x17: {  	s23 =	sadd.s32 s13, s14;
	[sflag:s12] =	ssyncset.done $0x0  }
0x18: {  	s13 =	sadd.s32 $0x800, s23;
	[sflag:s12] =	ssyncadd.s32 $0xFFFFC000  }
0x19: {  	[hbm4b:s13+s3] =	stream.linear.scatter [tilespmem:s8], [sflag:$0x3], $0x4000, $0x38;
	[tilespmem:$0x8400] =	vst v63  }
0x1a: {  	_ =	swait.ge [sflag:s4], $0x4000  }
0x1b: {  	[sflag:s4] =	ssyncset.done $0x0  }
0x1c: {  	s14 =	simm.s32 $0x180;
	[sflag:s4] =	ssyncadd.s32 $0xFFFFC000  }
0x1d: {  	[tilespmem:s8], [sflag:$0x2] =	stream.indirect.gather [hbm4b:s2+s6], $0x80, s14, s6, $0xb8;
	[tilespmem:$0x8400] =	vst v63  }
0x1e: {  	_ =	swait.ge [sflag:s9], $0x4000  }
0x1f: {  	[sflag:s9] =	ssyncset.done $0x0  }
0x20: {  	s15 =	sadd.s32 $0x1000, s23;
	[sflag:s9] =	ssyncadd.s32 $0xFFFFC000  }
0x21: {  	[hbm4b:s15+s3] =	stream.linear.scatter [tilespmem:s7], [sflag:$0x3], $0x4000, $0x38;
	[tilespmem:$0x8400] =	vst v63  }
0x22: {  	_ =	swait.ge [sflag:s4], $0x4000  }
0x23: {  	[sflag:s4] =	ssyncset.done $0x0  }
0x24: {  	s16 =	simm.s32 $0x200;
	[sflag:s4] =	ssyncadd.s32 $0xFFFFC000  }
0x25: {  	[tilespmem:s7], [sflag:$0x1] =	stream.indirect.gather [hbm4b:s2+s6], $0x80, s16, s6, $0xb8;
	[tilespmem:$0x8400] =	vst v63  }
0x26: {  	_ =	swait.ge [sflag:s12], $0x4000  }
0x27: {  	[sflag:s12] =	ssyncset.done $0x0  }
0x28: {  	s17 =	sadd.s32 $0x1800, s23;
	[sflag:s12] =	ssyncadd.s32 $0xFFFFC000  }
0x29: {  	[hbm4b:s17+s3] =	stream.linear.scatter [tilespmem:s8], [sflag:$0x3], $0x4000, $0x38;
	[tilespmem:$0x8400] =	vst v63  }
0x2a: {  	_ =	swait.ge [sflag:s4], $0x4000  }
0x2b: {  	[sflag:s4] =	ssyncset.done $0x0  }
0x2c: {  	s18 =	simm.s32 $0x280;
	[sflag:s4] =	ssyncadd.s32 $0xFFFFC000  }
0x2d: {  	[tilespmem:s8], [sflag:$0x2] =	stream.indirect.gather [hbm4b:s2+s6], $0x80, s18, s6, $0xb8;
	[tilespmem:$0x8400] =	vst v63  }
0x2e: {  	_ =	swait.ge [sflag:s9], $0x4000  }
0x2f: {  	[sflag:s9] =	ssyncset.done $0x0  }
0x30: {  	s19 =	sadd.s32 $0x2000, s23;
	[sflag:s9] =	ssyncadd.s32 $0xFFFFC000  }
0x31: {  	[hbm4b:s19+s3] =	stream.linear.scatter [tilespmem:s7], [sflag:$0x3], $0x4000, $0x38;
	[tilespmem:$0x8400] =	vst v63  }
0x32: {  	_ =	swait.ge [sflag:s4], $0x4000  }
0x33: {  	[sflag:s4] =	ssyncset.done $0x0  }
0x34: {  	s20 =	simm.s32 $0x300;
	[sflag:s4] =	ssyncadd.s32 $0xFFFFC000  }
0x35: {  	[tilespmem:s7], [sflag:$0x1] =	stream.indirect.gather [hbm4b:s2+s6], $0x80, s20, s6, $0xb8;
	[tilespmem:$0x8400] =	vst v63  }
0x36: {  	_ =	swait.ge [sflag:s12], $0x4000  }
0x37: {  	[sflag:s12] =	ssyncset.done $0x0  }
0x38: {  	s22 =	ssub.s32 $0x2, s22;
	s21 =	sadd.s32 $0x2800, s23;
	[sflag:s12] =	ssyncadd.s32 $0xFFFFC000  }
0x39: {  	[hbm4b:s21+s3] =	stream.linear.scatter [tilespmem:s8], [sflag:$0x3], $0x4000, $0x38;
	[tilespmem:$0x8400] =	vst v63  }
0x3a: {  	s24 =	sshrl.u32 s22, $0x1;
	_ =	swait.ge [sflag:s4], $0x4000  }
0x3b: {  	s24 =	ssub.s32 s22, s24;
	[sflag:s4] =	ssyncset.done $0x0  }
0x3c: {  	s31 =	smax.u32 s24, $0x1;
	[sflag:s4] =	ssyncadd.s32 $0xFFFFC000  }
0x3d: {  	p0 =	sne.s32 s31, $0x1;
	_ =	swait.ge [sflag:s9], $0x4000  }
.Ltmp0:
0x3e: {  	[sflag:s9] =	ssyncset.done $0x0;
	(pc) =	sbr.rel @!p0 .LBB2_2-.Ltmp0, $4  }
0x3f: {  	s22 =	sadd.s32 $0x3000, s23;
	[sflag:s9] =	ssyncadd.s32 $0xFFFFC000  }
0x40: {  	[hbm4b:s22+s3] =	stream.linear.scatter [tilespmem:s7], [sflag:$0x3], $0x4000, $0x38;
	[tilespmem:$0x8400] =	vst v63  }
0x41: {  	_ =	swait.ge [sflag:s4], $0x4000  }
0x42: {  	s23 =	sadd.s32 $0xFFFFFFFF, s31;
	[sflag:s4] =	ssyncset.done $0x0  }
.LBB2_1:
0x43: {  	p0 =	sne.s32 s23, $0x1;
	s23 =	sadd.s32 $0xFFFFFFFF, s23;
	[sflag:s4] =	ssyncadd.s32 $0xFFFFC000  }
0x44: {  	[tilespmem:s3], [sflag:$0x3] =	stream.linear.gather [hbm4b:s5+s3], $0x400, $0x38;
	[tilespmem:$0x8400] =	vst v63  }
0x45: {  	_ =	swait.ge [sflag:s4], $0x400  }
0x46: {  	[sflag:s4] =	ssyncset.done $0x0  }
0x47: {  	[sflag:s4] =	ssyncadd.s32 $0xFFFFFC00  }
0x48: {  	[tilespmem:s7], [sflag:$0x1] =	stream.indirect.gather [hbm4b:s2+s6], $0x80, s3, s6, $0xb8;
	[tilespmem:$0x8400] =	vst v63  }
0x49: {  	_ = 	snop  }
0x4a: {  	[tilespmem:s8], [sflag:$0x2] =	stream.indirect.gather [hbm4b:s2+s6], $0x80, s6, s6, $0xb8;
	[tilespmem:$0x8400] =	vst v63  }
0x4b: {  	_ =	swait.ge [sflag:s9], $0x4000  }
0x4c: {  	[sflag:s9] =	ssyncset.done $0x0  }
0x4d: {  	[sflag:s9] =	ssyncadd.s32 $0xFFFFC000  }
0x4e: {  	[hbm4b:s10+s3] =	stream.linear.scatter [tilespmem:s7], [sflag:$0x3], $0x4000, $0x38;
	[tilespmem:$0x8400] =	vst v63  }
0x4f: {  	_ =	swait.ge [sflag:s4], $0x4000  }
0x50: {  	[sflag:s4] =	ssyncset.done $0x0  }
0x51: {  	[sflag:s4] =	ssyncadd.s32 $0xFFFFC000  }
0x52: {  	[tilespmem:s7], [sflag:$0x1] =	stream.indirect.gather [hbm4b:s2+s6], $0x80, s11, s6, $0xb8;
	[tilespmem:$0x8400] =	vst v63  }
0x53: {  	_ =	swait.ge [sflag:s12], $0x4000  }
0x54: {  	[sflag:s12] =	ssyncset.done $0x0  }
0x55: {  	[sflag:s12] =	ssyncadd.s32 $0xFFFFC000  }
0x56: {  	[hbm4b:s13+s3] =	stream.linear.scatter [tilespmem:s8], [sflag:$0x3], $0x4000, $0x38;
	[tilespmem:$0x8400] =	vst v63  }
0x57: {  	_ =	swait.ge [sflag:s4], $0x4000  }
0x58: {  	[sflag:s4] =	ssyncset.done $0x0  }
0x59: {  	[sflag:s4] =	ssyncadd.s32 $0xFFFFC000  }
0x5a: {  	[tilespmem:s8], [sflag:$0x2] =	stream.indirect.gather [hbm4b:s2+s6], $0x80, s14, s6, $0xb8;
	[tilespmem:$0x8400] =	vst v63  }
0x5b: {  	_ =	swait.ge [sflag:s9], $0x4000  }
0x5c: {  	[sflag:s9] =	ssyncset.done $0x0  }
0x5d: {  	[sflag:s9] =	ssyncadd.s32 $0xFFFFC000  }
0x5e: {  	[hbm4b:s15+s3] =	stream.linear.scatter [tilespmem:s7], [sflag:$0x3], $0x4000, $0x38;
	[tilespmem:$0x8400] =	vst v63  }
0x5f: {  	_ =	swait.ge [sflag:s4], $0x4000  }
0x60: {  	[sflag:s4] =	ssyncset.done $0x0  }
0x61: {  	[sflag:s4] =	ssyncadd.s32 $0xFFFFC000  }
0x62: {  	[tilespmem:s7], [sflag:$0x1] =	stream.indirect.gather [hbm4b:s2+s6], $0x80, s16, s6, $0xb8;
	[tilespmem:$0x8400] =	vst v63  }
0x63: {  	_ =	swait.ge [sflag:s12], $0x4000  }
0x64: {  	[sflag:s12] =	ssyncset.done $0x0  }
0x65: {  	[sflag:s12] =	ssyncadd.s32 $0xFFFFC000  }
0x66: {  	[hbm4b:s17+s3] =	stream.linear.scatter [tilespmem:s8], [sflag:$0x3], $0x4000, $0x38;
	[tilespmem:$0x8400] =	vst v63  }
0x67: {  	_ =	swait.ge [sflag:s4], $0x4000  }
0x68: {  	[sflag:s4] =	ssyncset.done $0x0  }
0x69: {  	[sflag:s4] =	ssyncadd.s32 $0xFFFFC000  }
0x6a: {  	[tilespmem:s8], [sflag:$0x2] =	stream.indirect.gather [hbm4b:s2+s6], $0x80, s18, s6, $0xb8;
	[tilespmem:$0x8400] =	vst v63  }
0x6b: {  	_ =	swait.ge [sflag:s9], $0x4000  }
0x6c: {  	[sflag:s9] =	ssyncset.done $0x0  }
0x6d: {  	[sflag:s9] =	ssyncadd.s32 $0xFFFFC000  }
0x6e: {  	[hbm4b:s19+s3] =	stream.linear.scatter [tilespmem:s7], [sflag:$0x3], $0x4000, $0x38;
	[tilespmem:$0x8400] =	vst v63  }
0x6f: {  	_ =	swait.ge [sflag:s4], $0x4000  }
0x70: {  	[sflag:s4] =	ssyncset.done $0x0  }
0x71: {  	[sflag:s4] =	ssyncadd.s32 $0xFFFFC000  }
0x72: {  	[tilespmem:s7], [sflag:$0x1] =	stream.indirect.gather [hbm4b:s2+s6], $0x80, s20, s6, $0xb8;
	[tilespmem:$0x8400] =	vst v63  }
0x73: {  	_ =	swait.ge [sflag:s12], $0x4000  }
0x74: {  	[sflag:s12] =	ssyncset.done $0x0  }
0x75: {  	[sflag:s12] =	ssyncadd.s32 $0xFFFFC000  }
0x76: {  	[hbm4b:s21+s3] =	stream.linear.scatter [tilespmem:s8], [sflag:$0x3], $0x4000, $0x38;
	[tilespmem:$0x8400] =	vst v63  }
0x77: {  	_ =	swait.ge [sflag:s4], $0x4000  }
0x78: {  	[sflag:s4] =	ssyncset.done $0x0  }
0x79: {  	[sflag:s4] =	ssyncadd.s32 $0xFFFFC000  }
0x7a: {  	_ =	swait.ge [sflag:s9], $0x4000  }
.Ltmp1:
0x7b: {  	[sflag:s9] =	ssyncset.done $0x0;
	(pc) =	sbr.rel @p0 .LBB2_1-.Ltmp1, $4  }
0x7c: {  	[sflag:s9] =	ssyncadd.s32 $0xFFFFC000  }
0x7d: {  	[hbm4b:s22+s3] =	stream.linear.scatter [tilespmem:s7], [sflag:$0x3], $0x4000, $0x38;
	[tilespmem:$0x8400] =	vst v63  }
0x7e: {  	_ =	swait.ge [sflag:s4], $0x4000  }
0x7f: {  	[sflag:s4] =	ssyncset.done $0x0  }
.LBB2_2:
0x80: {  	[sflag:s4] =	ssyncadd.s32 $0xFFFFC000  }
0x81: {  	_ =	sfence.sel $0x180000  }
0x82: {  	[bflag:$0x0] =	sbarrier.arrive $0xFFFF  }
0x83: {  	p0 =	sne.s32 s0, $0x0;
	_ =	strace $0x9000004A  }
0x84: {  	s0 =	sadd.s32 @!p0 $0x100000, s1;
	[bflag:$0x2] =	sbarrier.arrive $0xFFFF  }
0x85: {  	[sflag:s0] =	ssyncadd.tile.s32 @!p0 $0x1;
	_ =	shalt  }
.Lfunc_end2:
_tile_overlayer_lowered:
.L_overlay_start_2:
0x86: {  	(tag) =	ssettag $0x2  }
0x87: {  	s0 =	rddreg [dreg:$0x0];
	s2 =	stileid.u32  }
0x88: {  	s1 =	rddreg [dreg:$0x1];
	p0 =	sne.s32 s2, $0x0  }
0x89: {  	s3 =	rddreg [dreg:$0x2];
	[bflag:$0x3] =	sbarrier.arrive $0xFFFF;
	s2 =	simm.s32 @!p0 $0x1C03  }
0x8a: {  	[timem:s3], [sflag:s2] =	dma.local @!p0 [hbm:s0], s1  }
0x8b: {  	s0 =	simm.s32 @!p0 $0x3  }
0x8c: {  	_ =	swait.ge @!p0 [sflag:s0], s1  }
0x8d: {  	s1 =	ssub.s32 @!p0 $0x0, s1;
	[sflag:s0] =	ssyncset.done @!p0 $0x0  }
0x8e: {  	[sflag:s0] =	ssyncadd.s32 @!p0 s1  }
0x8f: {  	[bflag:$0x3] =	sbarrier.arrive $0xFFFF  }
0x90: {  	_ =	shalt  }

// kernel: kernel.8.cloned.1.call-start
scs
__scs_entry_jumppad:
0x0: {  	(pc) =	sbr.rel $0x88, $3  }
0x1: {  	(tag) =	ssettag $0x0;
	lr =	simm.s32 $0x1  }
0x2: {  	[smem:$0x3F9E] =	sst lr;
	_ =	strace $0xD0000000  }
0x3: {  	_ = 	snop  }
0x4: {  	_ = 	snop  }
0x5: {  	_ = 	snop  }
0x6: {  	_ = 	snop  }
0x7: {  	_ = 	snop  }
__scs_overlays_trampoline_lowered:
0x8: {  	[smem:$0x3FAD] =	sst s0  }
0x9: {  	[smem:$0x3FAE] =	sst s1  }
0xa: {  	[smem:$0x3FAF] =	sst s2  }
0xb: {  	[smem:$0x3FB0] =	sst s3  }
0xc: {  	[smem:$0x3FB1] =	sst s4  }
0xd: {  	[smem:$0x3FB2] =	sst s5  }
0xe: {  	[smem:$0x3FB3] =	sst s6  }
0xf: {  	[smem:$0x3FB4] =	sst s7  }
0x10: {  	[smem:$0x3FB5] =	sst s8  }
0x11: {  	[smem:$0x3FB6] =	sst s9;
	s0 =	simm.s32 @!p0 $0x0  }
0x12: {  	s1 =	sld [smem:$0x3F9C];
	s0 =	simm.s32 @p0 $0x1  }
0x13: {  	[smem:$0x3FB7] =	sst s0;
	s0 =	simm.s32 @!p1 $0x0  }
0x14: {  	s2 =	sld [smem:$0x3F9B];
	s0 =	simm.s32 @p1 $0x1  }
0x15: {  	[smem:$0x3FB8] =	sst s0;
	s0 =	simm.s32 @!p2 $0x0  }
0x16: {  	s3 =	sld [smem:$0x3FDB];
	s0 =	simm.s32 @p2 $0x1  }
0x17: {  	s4 =	simm.s32 $0x1BF5;
	[smem:$0x3FBA] =	sst s0  }
0x18: {  	s0 =	sld [smem:$0x3F9D];
	_ =	swait.ge [sflag:s4], $0x0  }
0x19: {  	s7 =	sld [smem:$0x3F9E]  }
0x1a: {  	s8 =	sadd.s32 $0xFFFFE003, lr  }
0x1b: {  	s9 =	sadd.s32 $0xFFFFFEF7, lr;
	s5 =	simm.s32 $0xFFFFFFFF;
	p2 =	slt.u32 s8, $0xFFFFF086  }
0x1c: {  	p1 =	slt.u32 s9, $0xF7A;
	s5 =	simm.s32 @!p2 $0x0  }
0x1d: {  	s5 =	simm.s32 @p1 $0x1;
	p0 =	seq.s32 s7, s2  }
0x1e: {  	s7 =	smul.u32 @!p0 $0xF7A, s2;
	p2 =	seq.s32 @!p0 s5, $0x0  }
0x1f: {  	s9 =	smul.u32 $0xF7A, s1;
	s8 =	simm.s32 @!p0 $0x1BF5;
	p2 =	por !p2, p0  }
0x20: {  	[sflag:s8] =	ssyncset.s32 @!p0 $0xFFFFF086;
	s6 =	sadd.s32 @!p0 s3, s7;
	s7 =	simm.s32 @!p0 $0x108  }
0x21: {  	s3 =	sadd.s32 s3, s9;
	s6 =	sadd.s32 @!p0 $0x88, s6;
	s7 =	simm.s32 @p2 $0x1082  }
0x22: {  	[simem:s7], [sflag:s8] =	dma.local @!p0 [hbm:s6], $0xF7A  }
0x23: {  	s9 =	sor.u32 $0xD0000000, s2;
	s6 =	simm.s32 $0x108;
	_ =	swait.ge @!p0 [sflag:s8], $0x0  }
0x24: {  	s3 =	sadd.s32 $0x88, s3;
	s6 =	simm.s32 @!p1 $0x1082;
	[sflag:s4] =	ssyncset.s32 $0xFFFFF086  }
0x25: {  	[simem:s6], [sflag:s4] =	dma.local [hbm:s3], $0xF7A  }
0x26: {  	[smem:$0x3F9E] =	sst s1;
	(tag) =	ssettag s2;
	_ =	strace s9  }
0x27: {  	s1 =	sld [smem:$0x3FAE]  }
0x28: {  	s2 =	sld [smem:$0x3FAF]  }
0x29: {  	s4 =	sld [smem:$0x3FB1]  }
0x2a: {  	p0 =	seq.s32 s5, $0x0;
	s5 =	sld [smem:$0x3FB2]  }
0x2b: {  	s6 =	sld [smem:$0x3FB3]  }
0x2c: {  	s7 =	sld [smem:$0x3FB4]  }
0x2d: {  	s3 =	simm.s32 $0x108;
	s8 =	sld [smem:$0x3FB5]  }
0x2e: {  	s3 =	simm.s32 @!p0 $0x1082;
	s9 =	sld [smem:$0x3FB6]  }
0x2f: {  	lr =	sadd.s32 s0, s3;
	s0 =	sld [smem:$0x3FAD]  }
0x30: {  	s3 =	sld [smem:$0x3FB0]  }
0x31: {  	[smem:$0x3FB9] =	sst s10  }
0x32: {  	s10 =	sld [smem:$0x3FB7];
	_ =	sdelay $0x3  }
0x33: {  	p0 =	seq.s32 s10, $0x1;
	s10 =	sld [smem:$0x3FB9];
	_ =	sdelay $0x3  }
0x34: {  	[smem:$0x3FB9] =	sst s10  }
0x35: {  	s10 =	sld [smem:$0x3FB8];
	_ =	sdelay $0x3  }
0x36: {  	p1 =	seq.s32 s10, $0x1;
	s10 =	sld [smem:$0x3FB9];
	_ =	sdelay $0x3  }
0x37: {  	[smem:$0x3FB9] =	sst s10  }
0x38: {  	s10 =	sld [smem:$0x3FBA]  }
0x39: {  	_ = 	snop;
	(pc) =	sbr.ind lr, $3  }
0x3a: {  	_ = 	snop  }
0x3b: {  	_ = 	snop  }
0x3c: {  	p2 =	seq.s32 s10, $0x1;
	s10 =	sld [smem:$0x3FB9]  }
0x3d: {  	_ =	shalt  }
0x3e: {  	_ =	shalt  }
0x3f: {  	_ =	shalt  }
0x40: {  	_ =	shalt  }
0x41: {  	_ =	shalt  }
0x42: {  	_ =	shalt  }
0x43: {  	_ =	shalt  }
0x44: {  	_ =	shalt  }
0x45: {  	_ =	shalt  }
0x46: {  	_ =	shalt  }
0x47: {  	_ =	shalt  }
0x48: {  	_ =	shalt  }
0x49: {  	_ =	shalt  }
0x4a: {  	_ =	shalt  }
0x4b: {  	_ =	shalt  }
0x4c: {  	_ =	shalt  }
0x4d: {  	_ =	shalt  }
0x4e: {  	_ =	shalt  }
0x4f: {  	_ =	shalt  }
0x50: {  	_ =	shalt  }
0x51: {  	_ =	shalt  }
0x52: {  	_ =	shalt  }
0x53: {  	_ =	shalt  }
0x54: {  	_ =	shalt  }
0x55: {  	_ =	shalt  }
0x56: {  	_ =	shalt  }
0x57: {  	_ =	shalt  }
0x58: {  	_ =	shalt  }
0x59: {  	_ =	shalt  }
0x5a: {  	_ =	shalt  }
0x5b: {  	_ =	shalt  }
0x5c: {  	_ =	shalt  }
0x5d: {  	_ =	shalt  }
0x5e: {  	_ =	shalt  }
0x5f: {  	_ =	shalt  }
0x60: {  	_ =	shalt  }
0x61: {  	_ =	shalt  }
0x62: {  	_ =	shalt  }
0x63: {  	_ =	shalt  }
0x64: {  	_ =	shalt  }
0x65: {  	_ =	shalt  }
0x66: {  	_ =	shalt  }
0x67: {  	_ =	shalt  }
0x68: {  	_ =	shalt  }
0x69: {  	_ =	shalt  }
0x6a: {  	_ =	shalt  }
0x6b: {  	_ =	shalt  }
0x6c: {  	_ =	shalt  }
0x6d: {  	_ =	shalt  }
0x6e: {  	_ =	shalt  }
0x6f: {  	_ =	shalt  }
0x70: {  	_ =	shalt  }
0x71: {  	_ =	shalt  }
0x72: {  	_ =	shalt  }
0x73: {  	_ =	shalt  }
0x74: {  	_ =	shalt  }
0x75: {  	_ =	shalt  }
0x76: {  	_ =	shalt  }
0x77: {  	_ =	shalt  }
0x78: {  	_ =	shalt  }
0x79: {  	_ =	shalt  }
0x7a: {  	_ =	shalt  }
0x7b: {  	_ =	shalt  }
0x7c: {  	_ =	shalt  }
0x7d: {  	_ =	shalt  }
0x7e: {  	_ =	shalt  }
0x7f: {  	_ =	shalt  }
0x80: {  	_ =	shalt  }
0x81: {  	_ =	shalt  }
0x82: {  	_ =	shalt  }
0x83: {  	_ =	shalt  }
0x84: {  	_ =	shalt  }
0x85: {  	_ =	shalt  }
0x86: {  	_ =	shalt  }
0x87: {  	_ =	shalt  }
.Lfunc_end0:
.L_simem_size_0:
called_computation_lowered:
.L_overlay_start_0:
0x88: {  	s2 =	sld [smem:$0x3FD9]  }
0x89: {  	s3 =	sld [smem:$0x3FFE];
	_ =	sdelay $0x1  }
0x8a: {  	s1 =	srdreg.scid  }
0x8b: {  	s0 =	sand.u32 $0x1, s1  }
0x8c: {  	s16 =	sshll.u32 s0, $0xA;
	s2 =	sadd.s32 s3, s2  }
0x8d: {  	s2 =	sadd.s32 s2, s16  }
0x8e: {  	[smem:$0x3FC5] =	sst s2  }
0x8f: {  	_ = 	snop  }
0x90: {  	(tm) =	ssettm $0x1  }
0x91: {  	s17 =	sld [smem:$0x3FFB];
	_ =	sdelay $0x3  }
0x92: {  	_ =	strace s17  }
0x93: {  	s2 =	sld [smem:$0x3FFC];
	_ =	sdelay $0x3  }
0x94: {  	_ =	strace s2  }
0x95: {  	s2 =	sld [smem:$0x3FFD];
	_ =	sdelay $0x3  }
0x96: {  	_ =	strace s2  }
0x97: {  	_ =	strace $0x8FFFFFFF  }
0x98: {  	s18 =	sld [smem:$0x3FDB];
	_ =	sdelay $0x1  }
0x99: {  	s19 =	simm.s32 $_scs_section_size  }
0x9a: {  	s4 =	simm.s32 $_size__tile_overlayer_lowered;
	s5 =	simm.s32 $_tile_overlayer_lowered  }
0x9b: {  	s22 =	simm.s32 $0x1BFF;
	s21 =	sshll.u32 s5, $0x1;
	s2 =	sadd.s32 s19, s18  }
0x9c: {  	s6 =	simm.s32 $0x0;
	s20 =	sshll.u32 s4, $0x1;
	s4 =	sadd.s32 s21, s2  }
0x9d: {  	[timem:s6], [sflag:s22] =	dma.local [hbm:s4], s20  }
0x9e: {  	_ =	swait.ge [sflag:s22], s20  }
0x9f: {  	s3 =	ssub.s32 $0x0, s20;
	[sflag:s22] =	ssyncset.done $0x0  }
0xa0: {  	[sflag:s22] =	ssyncadd.s32 s3;
	_ =	sdelay $0x1  }
0xa1: {  	s23 =	simm.s32 $0x1B8B  }
0xa2: {  	_ =	swait.ge [sflag:s23], $0x1  }
0xa3: {  	[sflag:s23] =	ssyncset.done $0x0  }
0xa4: {  	s25 =	simm.s32 $0x1B8E;
	s24 =	sld [smem:$0x3FFE];
	[sflag:s23] =	ssyncadd.s32 $0xFFFFFFFF  }
0xa5: {  	s26 =	simm.s32 $execute0_lowered;
	[smem:$0x3FD2] =	sst s25  }
0xa6: {  	s4 =	sshll.u32 s26, $0x1;
	_ =	strace $0x80000046;
	[dreg:$0x1] =	wrdreg $0xFFFFFFFF  }
0xa7: {  	s28 =	simm.s32 $_size_execute0_lowered;
	s2 =	sadd.s32 s2, s4;
	[dreg:$0x0] =	wrdreg $0x0  }
0xa8: {  	s4 =	sshll.u32 s28, $0x1;
	[dreg:$0x2] =	wrdreg s2  }
0xa9: {  	[dreg:$0x3] =	wrdreg s4  }
0xaa: {  	[dreg:$0x4] =	wrdreg $0xC0  }
0xab: {  	_ =	task [dreg:s6], $0x5FFFF  }
0xac: {  	[dreg:$0x1] =	wrdreg $0xFFFFFFFF  }
0xad: {  	[dreg:$0x0] =	wrdreg $0x60  }
0xae: {  	[dreg:$0x2] =	wrdreg s24  }
0xaf: {  	[dreg:$0x3] =	wrdreg $0x9  }
0xb0: {  	_ =	task.clear_ibuf [dreg:s6], $0x4FFFF;
	_ =	strace $0x90000046  }
0xb1: {  	s29 =	simm.s32 $0x9;
	_ =	strace $0x80000048  }
0xb2: {  	_ =	swait.ge [sflag:s29], $0x1  }
0xb3: {  	[sflag:s29] =	ssyncadd.s32 $0xFFFFFFFF  }
0xb4: {  	_ =	strace $0x90000048  }
0xb5: {  	_ =	sfence  }
0xb6: {  	s30 =	sld [smem:$0x0];
	_ =	sdelay $0x2  }
0xb7: {  	s31 =	sshll.u32 s1, $0xD;
	s1 =	sshrl.u32 s1, $0x2  }
0xb8: {  	s3 =	sand.u32 $0x4000, s31;
	s1 =	sadd.s32 s1, s30  }
0xb9: {  	s0 =	sor.u32 s3, s0;
	s1 =	sshll.u32 s1, $0x11  }
0xba: {  	s0 =	sor.u32 s1, s0  }
0xbb: {  	s0 =	sadd.s32 $0x8F2B, s0  }
0xbc: {  	[sflag:s0] =	ssyncadd.remote.s32 $0x1  }
0xbd: {  	_ =	sfence.sel $0xFFFF  }
0xbe: {  	[dreg:$0x0] =	wrdreg $0xFFFFFFFF;
	(pc) =	sbr.abs _section_cstart, $3  }
0xbf: {  	[dreg:$0x1] =	wrdreg $0xFFFFFFFF  }
0xc0: {  	_ =	task.clear_ibuf [dreg:s6], $0x2FFFF;
	_ =	strace $0x9FFFFFFF  }
0xc1: {  	(tm) =	ssettm $0x7FFFFFFF  }
tec
execute0_lowered:
.L_overlay_start_1:
0x0: {  	(tag) =	ssettag $0x1  }
0x1: {  	s1 =	srdreg.scid;
	s0 =	stileid.u32  }
0x2: {  	s22 =	sand.u32 $0x1, s1;
	s30 =	sshll.u32 s0, $0x1  }
0x3: {  	s10 =	rddreg [dreg:$0x0];
	s11 =	sor.u32 s22, s30  }
0x4: {  	s2 =	simm.s32 $0x0;
	s1 =	rddreg [dreg:$0x1];
	s3 =	sshll.u32 s11, $0x7  }
0x5: {  	[smem:$0x7FF] =	sst s2;
	s3 =	sadd.s32 s3, s10  }
0x6: {  	_ =	strace $0x80000047;
	s4 =	sadd.s32 $0x1800, s3;
	s3 =	simm.s32 $0x3  }
0x7: {  	[tilespmem:s2], [sflag:$0x3] =	stream.linear.gather [hbm4b:s4+s2], $0x400, $0x38;
	[tilespmem:$0x8400] =	vst v63  }
0x8: {  	_ =	swait.ge [sflag:s3], $0x400  }
0x9: {  	s6 =	simm.s32 $0x80;
	[sflag:s3] =	ssyncset.done $0x0  }
0xa: {  	s7 =	simm.s32 $0x400;
	s5 =	sadd.s32 $0x2800, s10;
	[sflag:s3] =	ssyncadd.s32 $0xFFFFFC00  }
0xb: {  	[tilespmem:s7], [sflag:$0x1] =	stream.indirect.gather [hbm4b:s5+s6], $0x80, s2, s6, $0xb8;
	[tilespmem:$0x8400] =	vst v63  }
0xc: {  	s8 =	simm.s32 $0x4400;
	s9 =	simm.s32 $0x1  }
0xd: {  	[tilespmem:s8], [sflag:$0x2] =	stream.indirect.gather [hbm4b:s5+s6], $0x80, s6, s6, $0xb8;
	[tilespmem:$0x8400] =	vst v63  }
0xe: {  	s12 =	smul.u32 $0x3800, s11;
	_ =	swait.ge [sflag:s9], $0x4000  }
0xf: {  	s13 =	sadd.s32 $0x12800, s10;
	[sflag:s9] =	ssyncset.done $0x0  }
0x10: {  	s10 =	sadd.s32 s13, s12;
	[sflag:s9] =	ssyncadd.s32 $0xFFFFC000  }
0x11: {  	[hbm4b:s10+s2] =	stream.linear.scatter [tilespmem:s7], [sflag:$0x3], $0x4000, $0x38;
	[tilespmem:$0x8400] =	vst v63  }
0x12: {  	_ =	swait.ge [sflag:s3], $0x4000  }
0x13: {  	s14 =	smul.u32 $0x1C000, s11;
	[sflag:s3] =	ssyncset.done $0x0  }
0x14: {  	s11 =	simm.s32 $0x100;
	s12 =	simm.s32 $0x2;
	[sflag:s3] =	ssyncadd.s32 $0xFFFFC000  }
0x15: {  	[tilespmem:s7], [sflag:$0x1] =	stream.indirect.gather [hbm4b:s5+s6], $0x80, s11, s6, $0xb8;
	[tilespmem:$0x8400] =	vst v63  }
0x16: {  	s14 =	sshrl.u32 s14, $0x3;
	_ =	swait.ge [sflag:s12], $0x4000  }
0x17: {  	s23 =	sadd.s32 s13, s14;
	[sflag:s12] =	ssyncset.done $0x0  }
0x18: {  	s13 =	sadd.s32 $0x800, s23;
	[sflag:s12] =	ssyncadd.s32 $0xFFFFC000  }
0x19: {  	[hbm4b:s13+s2] =	stream.linear.scatter [tilespmem:s8], [sflag:$0x3], $0x4000, $0x38;
	[tilespmem:$0x8400] =	vst v63  }
0x1a: {  	_ =	swait.ge [sflag:s3], $0x4000  }
0x1b: {  	[sflag:s3] =	ssyncset.done $0x0  }
0x1c: {  	s14 =	simm.s32 $0x180;
	[sflag:s3] =	ssyncadd.s32 $0xFFFFC000  }
0x1d: {  	[tilespmem:s8], [sflag:$0x2] =	stream.indirect.gather [hbm4b:s5+s6], $0x80, s14, s6, $0xb8;
	[tilespmem:$0x8400] =	vst v63  }
0x1e: {  	_ =	swait.ge [sflag:s9], $0x4000  }
0x1f: {  	[sflag:s9] =	ssyncset.done $0x0  }
0x20: {  	s15 =	sadd.s32 $0x1000, s23;
	[sflag:s9] =	ssyncadd.s32 $0xFFFFC000  }
0x21: {  	[hbm4b:s15+s2] =	stream.linear.scatter [tilespmem:s7], [sflag:$0x3], $0x4000, $0x38;
	[tilespmem:$0x8400] =	vst v63  }
0x22: {  	_ =	swait.ge [sflag:s3], $0x4000  }
0x23: {  	[sflag:s3] =	ssyncset.done $0x0  }
0x24: {  	s16 =	simm.s32 $0x200;
	[sflag:s3] =	ssyncadd.s32 $0xFFFFC000  }
0x25: {  	[tilespmem:s7], [sflag:$0x1] =	stream.indirect.gather [hbm4b:s5+s6], $0x80, s16, s6, $0xb8;
	[tilespmem:$0x8400] =	vst v63  }
0x26: {  	_ =	swait.ge [sflag:s12], $0x4000  }
0x27: {  	[sflag:s12] =	ssyncset.done $0x0  }
0x28: {  	s17 =	sadd.s32 $0x1800, s23;
	[sflag:s12] =	ssyncadd.s32 $0xFFFFC000  }
0x29: {  	[hbm4b:s17+s2] =	stream.linear.scatter [tilespmem:s8], [sflag:$0x3], $0x4000, $0x38;
	[tilespmem:$0x8400] =	vst v63  }
0x2a: {  	_ =	swait.ge [sflag:s3], $0x4000  }
0x2b: {  	[sflag:s3] =	ssyncset.done $0x0  }
0x2c: {  	s18 =	simm.s32 $0x280;
	[sflag:s3] =	ssyncadd.s32 $0xFFFFC000  }
0x2d: {  	[tilespmem:s8], [sflag:$0x2] =	stream.indirect.gather [hbm4b:s5+s6], $0x80, s18, s6, $0xb8;
	[tilespmem:$0x8400] =	vst v63  }
0x2e: {  	_ =	swait.ge [sflag:s9], $0x4000  }
0x2f: {  	[sflag:s9] =	ssyncset.done $0x0  }
0x30: {  	s19 =	sadd.s32 $0x2000, s23;
	[sflag:s9] =	ssyncadd.s32 $0xFFFFC000  }
0x31: {  	[hbm4b:s19+s2] =	stream.linear.scatter [tilespmem:s7], [sflag:$0x3], $0x4000, $0x38;
	[tilespmem:$0x8400] =	vst v63  }
0x32: {  	_ =	swait.ge [sflag:s3], $0x4000  }
0x33: {  	[sflag:s3] =	ssyncset.done $0x0  }
0x34: {  	s20 =	simm.s32 $0x300;
	[sflag:s3] =	ssyncadd.s32 $0xFFFFC000  }
0x35: {  	[tilespmem:s7], [sflag:$0x1] =	stream.indirect.gather [hbm4b:s5+s6], $0x80, s20, s6, $0xb8;
	[tilespmem:$0x8400] =	vst v63  }
0x36: {  	_ =	swait.ge [sflag:s12], $0x4000  }
0x37: {  	[sflag:s12] =	ssyncset.done $0x0  }
0x38: {  	s22 =	ssub.s32 $0x2, s22;
	s21 =	sadd.s32 $0x2800, s23;
	[sflag:s12] =	ssyncadd.s32 $0xFFFFC000  }
0x39: {  	[hbm4b:s21+s2] =	stream.linear.scatter [tilespmem:s8], [sflag:$0x3], $0x4000, $0x38;
	[tilespmem:$0x8400] =	vst v63  }
0x3a: {  	s24 =	sshrl.u32 s22, $0x1;
	_ =	swait.ge [sflag:s3], $0x4000  }
0x3b: {  	s24 =	ssub.s32 s22, s24;
	[sflag:s3] =	ssyncset.done $0x0  }
0x3c: {  	s31 =	smax.u32 s24, $0x1;
	[sflag:s3] =	ssyncadd.s32 $0xFFFFC000  }
0x3d: {  	p0 =	sne.s32 s31, $0x1;
	_ =	swait.ge [sflag:s9], $0x4000  }
.Ltmp0:
0x3e: {  	[sflag:s9] =	ssyncset.done $0x0;
	(pc) =	sbr.rel @!p0 .LBB2_2-.Ltmp0, $4  }
0x3f: {  	s22 =	sadd.s32 $0x3000, s23;
	[sflag:s9] =	ssyncadd.s32 $0xFFFFC000  }
0x40: {  	[hbm4b:s22+s2] =	stream.linear.scatter [tilespmem:s7], [sflag:$0x3], $0x4000, $0x38;
	[tilespmem:$0x8400] =	vst v63  }
0x41: {  	_ =	swait.ge [sflag:s3], $0x4000  }
0x42: {  	s23 =	sadd.s32 $0xFFFFFFFF, s31;
	[sflag:s3] =	ssyncset.done $0x0  }
.LBB2_1:
0x43: {  	p0 =	sne.s32 s23, $0x1;
	s23 =	sadd.s32 $0xFFFFFFFF, s23;
	[sflag:s3] =	ssyncadd.s32 $0xFFFFC000  }
0x44: {  	[tilespmem:s2], [sflag:$0x3] =	stream.linear.gather [hbm4b:s4+s2], $0x400, $0x38;
	[tilespmem:$0x8400] =	vst v63  }
0x45: {  	_ =	swait.ge [sflag:s3], $0x400  }
0x46: {  	[sflag:s3] =	ssyncset.done $0x0  }
0x47: {  	[sflag:s3] =	ssyncadd.s32 $0xFFFFFC00  }
0x48: {  	[tilespmem:s7], [sflag:$0x1] =	stream.indirect.gather [hbm4b:s5+s6], $0x80, s2, s6, $0xb8;
	[tilespmem:$0x8400] =	vst v63  }
0x49: {  	_ = 	snop  }
0x4a: {  	[tilespmem:s8], [sflag:$0x2] =	stream.indirect.gather [hbm4b:s5+s6], $0x80, s6, s6, $0xb8;
	[tilespmem:$0x8400] =	vst v63  }
0x4b: {  	_ =	swait.ge [sflag:s9], $0x4000  }
0x4c: {  	[sflag:s9] =	ssyncset.done $0x0  }
0x4d: {  	[sflag:s9] =	ssyncadd.s32 $0xFFFFC000  }
0x4e: {  	[hbm4b:s10+s2] =	stream.linear.scatter [tilespmem:s7], [sflag:$0x3], $0x4000, $0x38;
	[tilespmem:$0x8400] =	vst v63  }
0x4f: {  	_ =	swait.ge [sflag:s3], $0x4000  }
0x50: {  	[sflag:s3] =	ssyncset.done $0x0  }
0x51: {  	[sflag:s3] =	ssyncadd.s32 $0xFFFFC000  }
0x52: {  	[tilespmem:s7], [sflag:$0x1] =	stream.indirect.gather [hbm4b:s5+s6], $0x80, s11, s6, $0xb8;
	[tilespmem:$0x8400] =	vst v63  }
0x53: {  	_ =	swait.ge [sflag:s12], $0x4000  }
0x54: {  	[sflag:s12] =	ssyncset.done $0x0  }
0x55: {  	[sflag:s12] =	ssyncadd.s32 $0xFFFFC000  }
0x56: {  	[hbm4b:s13+s2] =	stream.linear.scatter [tilespmem:s8], [sflag:$0x3], $0x4000, $0x38;
	[tilespmem:$0x8400] =	vst v63  }
0x57: {  	_ =	swait.ge [sflag:s3], $0x4000  }
0x58: {  	[sflag:s3] =	ssyncset.done $0x0  }
0x59: {  	[sflag:s3] =	ssyncadd.s32 $0xFFFFC000  }
0x5a: {  	[tilespmem:s8], [sflag:$0x2] =	stream.indirect.gather [hbm4b:s5+s6], $0x80, s14, s6, $0xb8;
	[tilespmem:$0x8400] =	vst v63  }
0x5b: {  	_ =	swait.ge [sflag:s9], $0x4000  }
0x5c: {  	[sflag:s9] =	ssyncset.done $0x0  }
0x5d: {  	[sflag:s9] =	ssyncadd.s32 $0xFFFFC000  }
0x5e: {  	[hbm4b:s15+s2] =	stream.linear.scatter [tilespmem:s7], [sflag:$0x3], $0x4000, $0x38;
	[tilespmem:$0x8400] =	vst v63  }
0x5f: {  	_ =	swait.ge [sflag:s3], $0x4000  }
0x60: {  	[sflag:s3] =	ssyncset.done $0x0  }
0x61: {  	[sflag:s3] =	ssyncadd.s32 $0xFFFFC000  }
0x62: {  	[tilespmem:s7], [sflag:$0x1] =	stream.indirect.gather [hbm4b:s5+s6], $0x80, s16, s6, $0xb8;
	[tilespmem:$0x8400] =	vst v63  }
0x63: {  	_ =	swait.ge [sflag:s12], $0x4000  }
0x64: {  	[sflag:s12] =	ssyncset.done $0x0  }
0x65: {  	[sflag:s12] =	ssyncadd.s32 $0xFFFFC000  }
0x66: {  	[hbm4b:s17+s2] =	stream.linear.scatter [tilespmem:s8], [sflag:$0x3], $0x4000, $0x38;
	[tilespmem:$0x8400] =	vst v63  }
0x67: {  	_ =	swait.ge [sflag:s3], $0x4000  }
0x68: {  	[sflag:s3] =	ssyncset.done $0x0  }
0x69: {  	[sflag:s3] =	ssyncadd.s32 $0xFFFFC000  }
0x6a: {  	[tilespmem:s8], [sflag:$0x2] =	stream.indirect.gather [hbm4b:s5+s6], $0x80, s18, s6, $0xb8;
	[tilespmem:$0x8400] =	vst v63  }
0x6b: {  	_ =	swait.ge [sflag:s9], $0x4000  }
0x6c: {  	[sflag:s9] =	ssyncset.done $0x0  }
0x6d: {  	[sflag:s9] =	ssyncadd.s32 $0xFFFFC000  }
0x6e: {  	[hbm4b:s19+s2] =	stream.linear.scatter [tilespmem:s7], [sflag:$0x3], $0x4000, $0x38;
	[tilespmem:$0x8400] =	vst v63  }
0x6f: {  	_ =	swait.ge [sflag:s3], $0x4000  }
0x70: {  	[sflag:s3] =	ssyncset.done $0x0  }
0x71: {  	[sflag:s3] =	ssyncadd.s32 $0xFFFFC000  }
0x72: {  	[tilespmem:s7], [sflag:$0x1] =	stream.indirect.gather [hbm4b:s5+s6], $0x80, s20, s6, $0xb8;
	[tilespmem:$0x8400] =	vst v63  }
0x73: {  	_ =	swait.ge [sflag:s12], $0x4000  }
0x74: {  	[sflag:s12] =	ssyncset.done $0x0  }
0x75: {  	[sflag:s12] =	ssyncadd.s32 $0xFFFFC000  }
0x76: {  	[hbm4b:s21+s2] =	stream.linear.scatter [tilespmem:s8], [sflag:$0x3], $0x4000, $0x38;
	[tilespmem:$0x8400] =	vst v63  }
0x77: {  	_ =	swait.ge [sflag:s3], $0x4000  }
0x78: {  	[sflag:s3] =	ssyncset.done $0x0  }
0x79: {  	[sflag:s3] =	ssyncadd.s32 $0xFFFFC000  }
0x7a: {  	_ =	swait.ge [sflag:s9], $0x4000  }
.Ltmp1:
0x7b: {  	[sflag:s9] =	ssyncset.done $0x0;
	(pc) =	sbr.rel @p0 .LBB2_1-.Ltmp1, $4  }
0x7c: {  	[sflag:s9] =	ssyncadd.s32 $0xFFFFC000  }
0x7d: {  	[hbm4b:s22+s2] =	stream.linear.scatter [tilespmem:s7], [sflag:$0x3], $0x4000, $0x38;
	[tilespmem:$0x8400] =	vst v63  }
0x7e: {  	_ =	swait.ge [sflag:s3], $0x4000  }
0x7f: {  	[sflag:s3] =	ssyncset.done $0x0  }
.LBB2_2:
0x80: {  	[sflag:s3] =	ssyncadd.s32 $0xFFFFC000  }
0x81: {  	_ =	sfence.sel $0x180000  }
0x82: {  	[bflag:$0x0] =	sbarrier.arrive $0xFFFF  }
0x83: {  	p0 =	sne.s32 s0, $0x0;
	_ =	strace $0x90000047  }
0x84: {  	s0 =	sadd.s32 @!p0 $0x100000, s1;
	[bflag:$0x2] =	sbarrier.arrive $0xFFFF  }
0x85: {  	[sflag:s0] =	ssyncadd.tile.s32 @!p0 $0x1;
	_ =	shalt  }
.Lfunc_end2:
_tile_overlayer_lowered:
.L_overlay_start_2:
0x86: {  	(tag) =	ssettag $0x2  }
0x87: {  	s0 =	rddreg [dreg:$0x0];
	s2 =	stileid.u32  }
0x88: {  	s1 =	rddreg [dreg:$0x1];
	p0 =	sne.s32 s2, $0x0  }
0x89: {  	s3 =	rddreg [dreg:$0x2];
	[bflag:$0x3] =	sbarrier.arrive $0xFFFF;
	s2 =	simm.s32 @!p0 $0x1C03  }
0x8a: {  	[timem:s3], [sflag:s2] =	dma.local @!p0 [hbm:s0], s1  }
0x8b: {  	s0 =	simm.s32 @!p0 $0x3  }
0x8c: {  	_ =	swait.ge @!p0 [sflag:s0], s1  }
0x8d: {  	s1 =	ssub.s32 @!p0 $0x0, s1;
	[sflag:s0] =	ssyncset.done @!p0 $0x0  }
0x8e: {  	[sflag:s0] =	ssyncadd.s32 @!p0 s1  }
0x8f: {  	[bflag:$0x3] =	sbarrier.arrive $0xFFFF  }
0x90: {  	_ =	shalt  }

</sc_bundles>
